<compile_context>
chip_gen: v7x
topology: tpu7x:2x2x1
jax: 0.10.2.dev20260603
libtpu: 0.0.44.dev20260713+nightly
codegen_flags: <defaults>
</compile_context>

<pallas_src>
import functools

import jax
import jax.numpy as jnp
from jax import lax
from jax.experimental import pallas as pl
from jax.experimental.pallas import tpu as pltpu
from jax.experimental.pallas import tpu_sc as plsc

N = 10000
E = 320000
D_IN = 128
D_H = 64
N_COMM = 10

NC = 2
NS = 16
NW = NC * NS

B = 128
CH = 80
EPT = CH * B
ET = NW * EPT

KB = 1
NPAD = 10240
RPT = NPAD // NS
DW = 16

_mesh = plsc.VectorSubcoreMesh(core_axis_name="c", subcore_axis_name="s")
_sc_params = pltpu.CompilerParams(use_tc_tiling_on_sc=False)


def _deg_body(dstI, out, dst_v, ones_v, zb_v, acc_sh):
    cid = lax.axis_index("c")
    sid = lax.axis_index("s")

    def fill(i, _):
        ones_v[i, :] = jnp.where(lax.iota(jnp.int32, 16) == 0,
                                 jnp.float32(1), jnp.float32(0))
        return 0
    lax.fori_loop(0, KB * B, fill, 0)

    def zfill(i, _):
        zb_v[i, :] = jnp.zeros((16,), jnp.float32)
        return 0
    lax.fori_loop(0, RPT, zfill, 0)
    pltpu.sync_copy(zb_v, acc_sh.at[pl.ds(sid * RPT, RPT)])
    pltpu.sync_copy(dstI.at[cid, sid], dst_v)
    plsc.subcore_barrier()

    def chunk(c, _):
        pltpu.sync_copy(ones_v, acc_sh.at[dst_v.at[c]], add=True)
        return 0
    lax.fori_loop(0, CH // KB, chunk, 0)
    plsc.subcore_barrier()
    pltpu.sync_copy(acc_sh.at[pl.ds(sid * RPT, RPT)],
                    out.at[cid, pl.ds(sid * RPT, RPT)])


_deg_call = pl.kernel(
    _deg_body,
    out_type=jax.ShapeDtypeStruct((NC, NPAD, DW), jnp.float32),
    mesh=_mesh,
    compiler_params=_sc_params,
    scratch_types=[
        pltpu.VMEM((CH // KB, KB * B), jnp.int32),
        pltpu.VMEM((KB * B, DW), jnp.float32),
        pltpu.VMEM((RPT, DW), jnp.float32),
        pltpu.VMEM_SHARED((NPAD, DW), jnp.float32),
    ],
)


def _agg_body(hws, srcI, dstI, out, src_v, dst_v, rows0, rows1, zb_v, acc_sh,
              hws_sh, g0, g1, s0, s1):
    cid = lax.axis_index("c")
    sid = lax.axis_index("s")

    def zfill(i, _):
        for j in range(D_H // 16):
            zb_v[i, pl.ds(j * 16, 16)] = jnp.zeros((16,), jnp.float32)
        return 0
    lax.fori_loop(0, RPT // 8, zfill, 0)
    for q in range(8):
        pltpu.sync_copy(zb_v, acc_sh.at[pl.ds(sid * RPT + q * (RPT // 8),
                                              RPT // 8)])
    pltpu.sync_copy(hws.at[pl.ds(sid * RPT, RPT)],
                    hws_sh.at[pl.ds(sid * RPT, RPT)])
    pltpu.sync_copy(srcI.at[cid, sid], src_v)
    pltpu.sync_copy(dstI.at[cid, sid], dst_v)
    plsc.subcore_barrier()

    def pair(i, _):
        c2 = i * 2
        hA = pltpu.async_copy(hws_sh.at[src_v.at[c2]], rows0, g0)
        hB = pltpu.async_copy(hws_sh.at[src_v.at[c2 + 1]], rows1, g1)
        hA.wait()
        sA = pltpu.async_copy(rows0, acc_sh.at[dst_v.at[c2]], s0, add=True)
        hB.wait()
        sB = pltpu.async_copy(rows1, acc_sh.at[dst_v.at[c2 + 1]], s1, add=True)
        sA.wait()
        sB.wait()
        return 0
    lax.fori_loop(0, (CH // KB) // 2, pair, 0)
    plsc.subcore_barrier()
    pltpu.sync_copy(acc_sh.at[pl.ds(sid * RPT, RPT)],
                    out.at[cid, pl.ds(sid * RPT, RPT)])


_agg_call = pl.kernel(
    _agg_body,
    out_type=jax.ShapeDtypeStruct((NC, NPAD, D_H), jnp.float32),
    mesh=_mesh,
    compiler_params=_sc_params,
    scratch_types=[
        pltpu.VMEM((CH // KB, KB * B), jnp.int32),
        pltpu.VMEM((CH // KB, KB * B), jnp.int32),
        pltpu.VMEM((KB * B, D_H), jnp.float32),
        pltpu.VMEM((KB * B, D_H), jnp.float32),
        pltpu.VMEM((RPT // 8, D_H), jnp.float32),
        pltpu.VMEM_SHARED((NPAD, D_H), jnp.float32),
        pltpu.VMEM_SHARED((NPAD, D_H), jnp.float32),
        pltpu.SemaphoreType.DMA,
        pltpu.SemaphoreType.DMA,
        pltpu.SemaphoreType.DMA,
        pltpu.SemaphoreType.DMA,
    ],
)


_RB = 1024


def _prep_body(deg_ref, x_ref, w_ref, hws_ref, dinv_ref):
    deg = deg_ref[0][:, 0:1] + deg_ref[1][:, 0:1] + 1.0
    dinv = lax.rsqrt(jnp.maximum(deg, 1.0))
    dinv_ref[...] = dinv
    hw = jnp.dot(x_ref[...], w_ref[...], preferred_element_type=jnp.float32)
    hws_ref[...] = hw * dinv


def _prep(deg, x_pad, W1):
    return pl.pallas_call(
        _prep_body,
        grid=(NPAD // _RB,),
        in_specs=[
            pl.BlockSpec((NC, _RB, DW), lambda i: (0, i, 0)),
            pl.BlockSpec((_RB, D_IN), lambda i: (i, 0)),
            pl.BlockSpec((D_IN, D_H), lambda i: (0, 0)),
        ],
        out_specs=[
            pl.BlockSpec((_RB, D_H), lambda i: (i, 0)),
            pl.BlockSpec((_RB, 1), lambda i: (i, 0)),
        ],
        out_shape=[
            jax.ShapeDtypeStruct((NPAD, D_H), jnp.float32),
            jax.ShapeDtypeStruct((NPAD, 1), jnp.float32),
        ],
    )(deg, x_pad, W1)


def _mid_body(agg_ref, hws1_ref, dinv_ref, b1_ref, w2_ref, hws2_ref):
    s = agg_ref[0] + agg_ref[1] + hws1_ref[...]
    h = jnp.maximum(s * dinv_ref[...] + b1_ref[...], 0.0)
    hw2 = jnp.dot(h, w2_ref[...], preferred_element_type=jnp.float32)
    hws2_ref[...] = hw2 * dinv_ref[...]


def _mid(agg1, hws1, dinv, b1, W2):
    return pl.pallas_call(
        _mid_body,
        grid=(NPAD // _RB,),
        in_specs=[
            pl.BlockSpec((NC, _RB, D_H), lambda i: (0, i, 0)),
            pl.BlockSpec((_RB, D_H), lambda i: (i, 0)),
            pl.BlockSpec((_RB, 1), lambda i: (i, 0)),
            pl.BlockSpec((1, D_H), lambda i: (0, 0)),
            pl.BlockSpec((D_H, D_H), lambda i: (0, 0)),
        ],
        out_specs=pl.BlockSpec((_RB, D_H), lambda i: (i, 0)),
        out_shape=jax.ShapeDtypeStruct((NPAD, D_H), jnp.float32),
    )(agg1, hws1, dinv, b1, W2)


def _fin_body(agg_ref, hws2_ref, dinv_ref, b2_ref, wc1_ref, bc1_ref,
              wc2_ref, bc2_ref, emb_ref, probs_ref):
    s = agg_ref[0] + agg_ref[1] + hws2_ref[...]
    emb = jnp.maximum(s * dinv_ref[...] + b2_ref[...], 0.0)
    emb_ref[...] = emb
    z = jnp.maximum(
        jnp.dot(emb, wc1_ref[...], preferred_element_type=jnp.float32)
        + bc1_ref[...], 0.0)
    logits = (jnp.dot(z, wc2_ref[...], preferred_element_type=jnp.float32)
              + bc2_ref[...])
    m = jnp.max(logits, axis=1, keepdims=True)
    e = jnp.exp(logits - m)
    probs_ref[...] = e / jnp.sum(e, axis=1, keepdims=True)


def _fin(agg2, hws2, dinv, b2, Wc1, bc1, Wc2, bc2):
    return pl.pallas_call(
        _fin_body,
        grid=(NPAD // _RB,),
        in_specs=[
            pl.BlockSpec((NC, _RB, D_H), lambda i: (0, i, 0)),
            pl.BlockSpec((_RB, D_H), lambda i: (i, 0)),
            pl.BlockSpec((_RB, 1), lambda i: (i, 0)),
            pl.BlockSpec((1, D_H), lambda i: (0, 0)),
            pl.BlockSpec((D_H, D_H // 2), lambda i: (0, 0)),
            pl.BlockSpec((1, D_H // 2), lambda i: (0, 0)),
            pl.BlockSpec((D_H // 2, N_COMM), lambda i: (0, 0)),
            pl.BlockSpec((1, N_COMM), lambda i: (0, 0)),
        ],
        out_specs=[
            pl.BlockSpec((_RB, D_H), lambda i: (i, 0)),
            pl.BlockSpec((_RB, N_COMM), lambda i: (i, 0)),
        ],
        out_shape=[
            jax.ShapeDtypeStruct((NPAD, D_H), jnp.float32),
            jax.ShapeDtypeStruct((NPAD, N_COMM), jnp.float32),
        ],
    )(agg2, hws2, dinv, b2, Wc1, bc1, Wc2, bc2)


def kernel(x, edge_index, W1, b1, W2, b2, Wc1, bc1, Wc2, bc2):
    src = edge_index[0]
    dst = edge_index[1]
    pad = ET - E
    src_p = jnp.concatenate([src, jnp.zeros((pad,), jnp.int32)])
    dst_p = jnp.concatenate([dst, jnp.full((pad,), N, jnp.int32)])
    srcI = src_p.reshape(NC, NS, CH // KB, KB * B)
    dstI = dst_p.reshape(NC, NS, CH // KB, KB * B)

    x_pad = jnp.pad(x, ((0, NPAD - N), (0, 0)))
    b1r = b1.reshape(1, D_H)
    b2r = b2.reshape(1, D_H)
    bc1r = bc1.reshape(1, D_H // 2)
    bc2r = bc2.reshape(1, N_COMM)

    deg = _deg_call(dstI)
    hws1, dinv = _prep(deg, x_pad, W1)
    agg1 = _agg_call(hws1, srcI, dstI)
    hws2 = _mid(agg1, hws1, dinv, b1r, W2)
    agg2 = _agg_call(hws2, srcI, dstI)
    emb_pad, probs_pad = _fin(agg2, hws2, dinv, b2r, Wc1, bc1r, Wc2, bc2r)
    return emb_pad[:N], probs_pad[:N]

# --- scband reference (transcript-rebuilt; emitter-appended) ---
"""Pipeline reference for scband-community-detection-gnn-67929202753825 (READ-ONLY COPY).

The authoritative reference and input builder live on the scoring server;
editing this copy changes nothing except your own understanding.
"""

import jax, jax.numpy as jnp
import numpy as np

N = 10000
E = 320000
D_IN = 128
D_H = 64
N_COMM = 10


def setup_inputs(seed: int = 0) -> dict:
    key = jax.random.key(seed)
    ks = jax.random.split(key, 12)
    x = jax.random.normal(ks[0], (N, D_IN), dtype=jnp.float32)
    edge_index = jax.random.randint(ks[1], (2, E), 0, N, dtype=jnp.int32)
    W1 = jax.random.normal(ks[2], (D_IN, D_H), dtype=jnp.float32) * 0.05
    b1 = jnp.zeros((D_H,), dtype=jnp.float32)
    W2 = jax.random.normal(ks[3], (D_H, D_H), dtype=jnp.float32) * 0.05
    b2 = jnp.zeros((D_H,), dtype=jnp.float32)
    Wc1 = jax.random.normal(ks[4], (D_H, D_H // 2), dtype=jnp.float32) * 0.05
    bc1 = jnp.zeros((D_H // 2,), dtype=jnp.float32)
    Wc2 = jax.random.normal(ks[5], (D_H // 2, N_COMM), dtype=jnp.float32) * 0.05
    bc2 = jnp.zeros((N_COMM,), dtype=jnp.float32)
    return {"x": x, "edge_index": edge_index, "W1": W1, "b1": b1, "W2": W2,
            "b2": b2, "Wc1": Wc1, "bc1": bc1, "Wc2": Wc2, "bc2": bc2}


def reference(x, edge_index, W1, b1, W2, b2, Wc1, bc1, Wc2, bc2):
    # GCNConv with self-loops and symmetric normalization (PyG semantics).
    src = edge_index[0]
    dst = edge_index[1]
    loop = jnp.arange(N, dtype=src.dtype)
    src = jnp.concatenate([src, loop])
    dst = jnp.concatenate([dst, loop])
    deg = jax.ops.segment_sum(jnp.ones_like(src, dtype=jnp.float32), dst, num_segments=N)
    dinv = jax.lax.rsqrt(jnp.maximum(deg, 1.0))
    norm = dinv[src] * dinv[dst]

    def gcn_conv(h, W, b):
        hw = h @ W
        msg = hw[src] * norm[:, None]
        return jax.ops.segment_sum(msg, dst, num_segments=N) + b

    # encoder: GCNConv -> ReLU -> Dropout(eval=identity) -> GCNConv -> ReLU -> Dropout
    h = jax.nn.relu(gcn_conv(x, W1, b1))
    embeddings = jax.nn.relu(gcn_conv(h, W2, b2))
    # community classifier: Linear -> ReLU -> Dropout -> Linear -> Softmax(dim=1)
    z = jax.nn.relu(embeddings @ Wc1 + bc1)
    community_probs = jax.nn.softmax(z @ Wc2 + bc2, axis=1)
    return (embeddings, community_probs)

if __name__ == "__main__":
    import jax
    _d = setup_inputs()
    print(jax.jit(kernel)(*tuple(_d.values())))

</pallas_src>

<mosaic_0001>
#map = affine_map<(d0, d1) -> (0, 0, 0, 0)>
#map1 = affine_map<(d0, d1) -> (0, 0, 0)>
module attributes {stable_mosaic.version = 14 : i64} {
  func.func @_deg_body(%arg0: i32, %arg1: i32, %arg2: memref<2x16x80x128xi32, #tpu.memory_space<hbm>>, %arg3: memref<2x10240x16xf32, #tpu.memory_space<hbm>>, %arg4: memref<80x128xi32, #tpu.memory_space<vmem>>, %arg5: memref<128x16xf32, #tpu.memory_space<vmem>>, %arg6: memref<640x16xf32, #tpu.memory_space<vmem>>, %arg7: memref<10240x16xf32, #tpu.memory_space<vmem_shared>>) attributes {dimension_semantics = [#tpu.dimension_semantics<core_parallel>, #tpu.dimension_semantics<subcore_parallel>], iteration_bounds = array<i64: 2, 16>, scalar_prefetch = 0 : i64, scratch_operands = 4 : i64, tpu.core_type = #tpu.core_type<sc_vector_subcore>, window_params = [{transform_indices = #map}, {transform_indices = #map1}]} {
    %scan3A = arith.constant 0 : i32
    %scan3A_0 = arith.constant 0 : i32
    %scan3A_1 = arith.constant 128 : i32
    %scan3A_2 = arith.addi %scan3A_0, %scan3A_1 : i32
    %scan3A_3 = arith.constant 1 : i32
    %scan3A_4 = scf.for %scan3A_26 = %scan3A_0 to %scan3A_2 step %scan3A_3 iter_args(%scan3A_27 = %scan3A) -> (i32)  : i32 {
      %iota3A = tpu.iota {dimensions = array<i32: 0>} : vector<16xi32>
      %eq3A = arith.constant 0 : i32
      %eq3A_28 = vector.broadcast %eq3A : i32 to vector<16xi32>
      %eq3A_29 = arith.cmpi eq, %iota3A, %eq3A_28 : vector<16xi32>
      %jit3A = arith.constant 1.000000e+00 : f32
      %jit3A_30 = arith.constant 0.000000e+00 : f32
      %broadcast_in_dim3A = vector.broadcast %jit3A : f32 to vector<16xf32>
      %broadcast_in_dim3A_31 = vector.broadcast %jit3A_30 : f32 to vector<16xf32>
      %select_n3A = arith.select %eq3A_29, %broadcast_in_dim3A, %broadcast_in_dim3A_31 : vector<16xi1>, vector<16xf32>
      %swap3A = arith.index_cast %scan3A_26 : i32 to index
      %swap3A_32 = arith.constant 0 : index
      %swap3A_33 = tpu.vector_load %arg5[%swap3A, %swap3A_32] {strides = array<i32>} : memref<128x16xf32, #tpu.memory_space<vmem>>, vector<1x16xf32>,
      %swap3A_34 = vector.shape_cast %swap3A_33 : vector<1x16xf32> to vector<16xf32>
      %swap3A_35 = vector.shape_cast %select_n3A : vector<16xf32> to vector<1x16xf32>
      tpu.vector_store %arg5[%swap3A, %swap3A_32], %swap3A_35 {strides = array<i32>} : memref<128x16xf32, #tpu.memory_space<vmem>>, vector<1x16xf32>,
      %scan3A_36 = arith.constant 0 : i32
      scf.yield %scan3A_36 : i32
    }
    %scan3A_5 = arith.constant 128 : i32
    %scan3A_6 = arith.constant 0 : i32
    %scan3A_7 = arith.constant 0 : i32
    %scan3A_8 = arith.constant 640 : i32
    %scan3A_9 = arith.addi %scan3A_7, %scan3A_8 : i32
    %scan3A_10 = arith.constant 1 : i32
    %scan3A_11 = scf.for %scan3A_26 = %scan3A_7 to %scan3A_9 step %scan3A_10 iter_args(%scan3A_27 = %scan3A_6) -> (i32)  : i32 {
      %broadcast_in_dim3A = arith.constant 0.000000e+00 : f32
      %broadcast_in_dim3A_28 = vector.broadcast %broadcast_in_dim3A : f32 to vector<16xf32>
      %swap3A = arith.index_cast %scan3A_26 : i32 to index
      %swap3A_29 = arith.constant 0 : index
      %swap3A_30 = tpu.vector_load %arg6[%swap3A, %swap3A_29] {strides = array<i32>} : memref<640x16xf32, #tpu.memory_space<vmem>>, vector<1x16xf32>,
      %swap3A_31 = vector.shape_cast %swap3A_30 : vector<1x16xf32> to vector<16xf32>
      %swap3A_32 = vector.shape_cast %broadcast_in_dim3A_28 : vector<16xf32> to vector<1x16xf32>
      tpu.vector_store %arg6[%swap3A, %swap3A_29], %swap3A_32 {strides = array<i32>} : memref<640x16xf32, #tpu.memory_space<vmem>>, vector<1x16xf32>,
      %scan3A_33 = arith.constant 0 : i32
      scf.yield %scan3A_33 : i32
    }
    %scan3A_12 = arith.constant 640 : i32
    %mul3A = arith.constant 640 : i32
    %mul3A_13 = arith.muli %arg1, %mul3A : i32
    "tpu.region"() ({
      %run_scoped3A = tpu.sem_alloc : memref<!tpu.dma_semaphore, #tpu.memory_space<semaphore_mem>>
      %dma_start3A = arith.constant 0 : i32
      %dma_start3A_26 = tpu.memref_slice %arg7[%mul3A_13, %dma_start3A] : memref<10240x16xf32, #tpu.memory_space<vmem_shared>> -> memref<640x16xf32, #tpu.memory_space<vmem_shared>>
      %dma_start3A_27 = arith.constant 0 : i32
      %dma_start3A_28 = tpu.memref_slice %arg7[%mul3A_13, %dma_start3A_27] : memref<10240x16xf32, #tpu.memory_space<vmem_shared>> -> memref<640x16xf32, #tpu.memory_space<vmem_shared>>
      tpu.enqueue_dma source(%arg6 : memref<640x16xf32, #tpu.memory_space<vmem>>) target(%dma_start3A_28 : memref<640x16xf32, #tpu.memory_space<vmem_shared>>) target_semaphore(%run_scoped3A : memref<!tpu.dma_semaphore, #tpu.memory_space<semaphore_mem>>)
      %dma_wait3A = arith.constant 0 : i32
      %dma_wait3A_29 = tpu.memref_slice %arg7[%mul3A_13, %dma_wait3A] : memref<10240x16xf32, #tpu.memory_space<vmem_shared>> -> memref<640x16xf32, #tpu.memory_space<vmem_shared>>
      %dma_wait3A_30 = arith.constant 0 : i32
      %dma_wait3A_31 = tpu.memref_slice %arg7[%mul3A_13, %dma_wait3A_30] : memref<10240x16xf32, #tpu.memory_space<vmem_shared>> -> memref<640x16xf32, #tpu.memory_space<vmem_shared>>
      tpu.wait_dma2 semaphore(%run_scoped3A : memref<!tpu.dma_semaphore, #tpu.memory_space<semaphore_mem>>) src(%arg6 : memref<640x16xf32, #tpu.memory_space<vmem>>) dst(%dma_wait3A_31 : memref<640x16xf32, #tpu.memory_space<vmem_shared>>)
      tpu.yield
    }) : () -> ()
    "tpu.region"() ({
      %run_scoped3A = tpu.sem_alloc : memref<!tpu.dma_semaphore, #tpu.memory_space<semaphore_mem>>
      %dma_start3A = arith.constant 0 : i32
      %dma_start3A_26 = arith.constant 0 : i32
      %dma_start3A_27 = tpu.memref_slice %arg2[%arg0, %arg1, %dma_start3A, %dma_start3A_26] : memref<2x16x80x128xi32, #tpu.memory_space<hbm>> -> memref<1x1x80x128xi32, #tpu.memory_space<hbm>>
      %dma_start3A_28 = tpu.memref_squeeze %dma_start3A_27 : memref<1x1x80x128xi32, #tpu.memory_space<hbm>> -> memref<80x128xi32, #tpu.memory_space<hbm>>
      %dma_start3A_29 = arith.constant 0 : i32
      %dma_start3A_30 = arith.constant 0 : i32
      %dma_start3A_31 = tpu.memref_slice %arg2[%arg0, %arg1, %dma_start3A_29, %dma_start3A_30] : memref<2x16x80x128xi32, #tpu.memory_space<hbm>> -> memref<1x1x80x128xi32, #tpu.memory_space<hbm>>
      %dma_start3A_32 = tpu.memref_squeeze %dma_start3A_31 : memref<1x1x80x128xi32, #tpu.memory_space<hbm>> -> memref<80x128xi32, #tpu.memory_space<hbm>>
      tpu.enqueue_dma source(%dma_start3A_32 : memref<80x128xi32, #tpu.memory_space<hbm>>) target(%arg4 : memref<80x128xi32, #tpu.memory_space<vmem>>) target_semaphore(%run_scoped3A : memref<!tpu.dma_semaphore, #tpu.memory_space<semaphore_mem>>)
      %dma_wait3A = arith.constant 0 : i32
      %dma_wait3A_33 = arith.constant 0 : i32
      %dma_wait3A_34 = tpu.memref_slice %arg2[%arg0, %arg1, %dma_wait3A, %dma_wait3A_33] : memref<2x16x80x128xi32, #tpu.memory_space<hbm>> -> memref<1x1x80x128xi32, #tpu.memory_space<hbm>>
      %dma_wait3A_35 = tpu.memref_squeeze %dma_wait3A_34 : memref<1x1x80x128xi32, #tpu.memory_space<hbm>> -> memref<80x128xi32, #tpu.memory_space<hbm>>
      %dma_wait3A_36 = arith.constant 0 : i32
      %dma_wait3A_37 = arith.constant 0 : i32
      %dma_wait3A_38 = tpu.memref_slice %arg2[%arg0, %arg1, %dma_wait3A_36, %dma_wait3A_37] : memref<2x16x80x128xi32, #tpu.memory_space<hbm>> -> memref<1x1x80x128xi32, #tpu.memory_space<hbm>>
      %dma_wait3A_39 = tpu.memref_squeeze %dma_wait3A_38 : memref<1x1x80x128xi32, #tpu.memory_space<hbm>> -> memref<80x128xi32, #tpu.memory_space<hbm>>
      tpu.wait_dma2 semaphore(%run_scoped3A : memref<!tpu.dma_semaphore, #tpu.memory_space<semaphore_mem>>) src(%dma_wait3A_39 : memref<80x128xi32, #tpu.memory_space<hbm>>) dst(%arg4 : memref<80x128xi32, #tpu.memory_space<vmem>>)
      tpu.yield
    }) : () -> ()
    %barrier3A = arith.constant 0 : index
    tpu.barrier barrier_id(%barrier3A)
    %scan3A_14 = arith.constant 0 : i32
    %scan3A_15 = arith.constant 0 : i32
    %scan3A_16 = arith.constant 80 : i32
    %scan3A_17 = arith.addi %scan3A_15, %scan3A_16 : i32
    %scan3A_18 = arith.constant 1 : i32
    %scan3A_19 = scf.for %scan3A_26 = %scan3A_15 to %scan3A_17 step %scan3A_18 iter_args(%scan3A_27 = %scan3A_14) -> (i32)  : i32 {
      "tpu.region"() ({
        %run_scoped3A = tpu.sem_alloc : memref<!tpu.dma_semaphore, #tpu.memory_space<semaphore_mem>>
        %dma_start3A = arith.constant 0 : i32
        %dma_start3A_29 = tpu.memref_slice %arg4[%scan3A_26, %dma_start3A] : memref<80x128xi32, #tpu.memory_space<vmem>> -> memref<1x128xi32, #tpu.memory_space<vmem>>
        %dma_start3A_30 = tpu.memref_squeeze %dma_start3A_29 : memref<1x128xi32, #tpu.memory_space<vmem>> -> memref<128xi32, #tpu.memory_space<vmem>>
        %dma_start3A_31 = arith.constant 0 : i32
        %dma_start3A_32 = arith.constant 0 : i32
        %dma_start3A_33 = tpu.memref_slice %arg7[%dma_start3A_31, %dma_start3A_32] : memref<10240x16xf32, #tpu.memory_space<vmem_shared>> -> memref<10240x16xf32, #tpu.memory_space<vmem_shared>>
        tpu.enqueue_indirect_dma source(%arg5 : memref<128x16xf32, #tpu.memory_space<vmem>>) target(%dma_start3A_33 : memref<10240x16xf32, #tpu.memory_space<vmem_shared>>) offsets(%dma_start3A_30 : memref<128xi32, #tpu.memory_space<vmem>>) semaphore(%run_scoped3A : memref<!tpu.dma_semaphore, #tpu.memory_space<semaphore_mem>>) {add = true}
        %dma_wait3A = arith.constant 0 : i32
        %dma_wait3A_34 = tpu.memref_slice %arg4[%scan3A_26, %dma_wait3A] : memref<80x128xi32, #tpu.memory_space<vmem>> -> memref<1x128xi32, #tpu.memory_space<vmem>>
        %dma_wait3A_35 = tpu.memref_squeeze %dma_wait3A_34 : memref<1x128xi32, #tpu.memory_space<vmem>> -> memref<128xi32, #tpu.memory_space<vmem>>
        %dma_wait3A_36 = arith.constant 0 : i32
        %dma_wait3A_37 = arith.constant 0 : i32
        %dma_wait3A_38 = tpu.memref_slice %arg7[%dma_wait3A_36, %dma_wait3A_37] : memref<10240x16xf32, #tpu.memory_space<vmem_shared>> -> memref<10240x16xf32, #tpu.memory_space<vmem_shared>>
        tpu.wait_indirect_dma semaphore(%run_scoped3A : memref<!tpu.dma_semaphore, #tpu.memory_space<semaphore_mem>>) src(%arg5 : memref<128x16xf32, #tpu.memory_space<vmem>>) dst(%dma_wait3A_38 : memref<10240x16xf32, #tpu.memory_space<vmem_shared>>)
        tpu.yield
      }) : () -> ()
      %scan3A_28 = arith.constant 0 : i32
      scf.yield %scan3A_28 : i32
    }
    %scan3A_20 = arith.constant 80 : i32
    %barrier3A_21 = arith.constant 0 : index
    tpu.barrier barrier_id(%barrier3A_21)
    %mul3A_22 = arith.constant 640 : i32
    %mul3A_23 = arith.muli %arg1, %mul3A_22 : i32
    %mul3A_24 = arith.constant 640 : i32
    %mul3A_25 = arith.muli %arg1, %mul3A_24 : i32
    "tpu.region"() ({
      %run_scoped3A = tpu.sem_alloc : memref<!tpu.dma_semaphore, #tpu.memory_space<semaphore_mem>>
      %dma_start3A = arith.constant 0 : i32
      %dma_start3A_26 = tpu.memref_slice %arg3[%arg0, %mul3A_25, %dma_start3A] : memref<2x10240x16xf32, #tpu.memory_space<hbm>> -> memref<1x640x16xf32, #tpu.memory_space<hbm>>
      %dma_start3A_27 = tpu.memref_squeeze %dma_start3A_26 : memref<1x640x16xf32, #tpu.memory_space<hbm>> -> memref<640x16xf32, #tpu.memory_space<hbm>>
      %dma_start3A_28 = arith.constant 0 : i32
      %dma_start3A_29 = tpu.memref_slice %arg7[%mul3A_23, %dma_start3A_28] : memref<10240x16xf32, #tpu.memory_space<vmem_shared>> -> memref<640x16xf32, #tpu.memory_space<vmem_shared>>
      tpu.enqueue_dma source(%dma_start3A_29 : memref<640x16xf32, #tpu.memory_space<vmem_shared>>) target(%dma_start3A_27 : memref<640x16xf32, #tpu.memory_space<hbm>>) target_semaphore(%run_scoped3A : memref<!tpu.dma_semaphore, #tpu.memory_space<semaphore_mem>>)
      %dma_wait3A = arith.constant 0 : i32
      %dma_wait3A_30 = tpu.memref_slice %arg3[%arg0, %mul3A_25, %dma_wait3A] : memref<2x10240x16xf32, #tpu.memory_space<hbm>> -> memref<1x640x16xf32, #tpu.memory_space<hbm>>
      %dma_wait3A_31 = tpu.memref_squeeze %dma_wait3A_30 : memref<1x640x16xf32, #tpu.memory_space<hbm>> -> memref<640x16xf32, #tpu.memory_space<hbm>>
      %dma_wait3A_32 = arith.constant 0 : i32
      %dma_wait3A_33 = tpu.memref_slice %arg7[%mul3A_23, %dma_wait3A_32] : memref<10240x16xf32, #tpu.memory_space<vmem_shared>> -> memref<640x16xf32, #tpu.memory_space<vmem_shared>>
      tpu.wait_dma2 semaphore(%run_scoped3A : memref<!tpu.dma_semaphore, #tpu.memory_space<semaphore_mem>>) src(%dma_wait3A_33 : memref<640x16xf32, #tpu.memory_space<vmem_shared>>) dst(%dma_wait3A_31 : memref<640x16xf32, #tpu.memory_space<hbm>>)
      tpu.yield
    }) : () -> ()
    return
  }
}

#map = affine_map<(d0, d1) -> (0, 0)>
#map1 = affine_map<(d0, d1) -> (0, 0, 0, 0)>
#map2 = affine_map<(d0, d1) -> (0, 0, 0)>
module attributes {stable_mosaic.version = 14 : i64} {
  func.func @_agg_body(%arg0: i32, %arg1: i32, %arg2: memref<10240x64xf32, #tpu.memory_space<hbm>>, %arg3: memref<2x16x80x128xi32, #tpu.memory_space<hbm>>, %arg4: memref<2x16x80x128xi32, #tpu.memory_space<hbm>>, %arg5: memref<2x10240x64xf32, #tpu.memory_space<hbm>>, %arg6: memref<80x128xi32, #tpu.memory_space<vmem>>, %arg7: memref<80x128xi32, #tpu.memory_space<vmem>>, %arg8: memref<128x64xf32, #tpu.memory_space<vmem>>, %arg9: memref<128x64xf32, #tpu.memory_space<vmem>>, %arg10: memref<80x64xf32, #tpu.memory_space<vmem>>, %arg11: memref<10240x64xf32, #tpu.memory_space<vmem_shared>>, %arg12: memref<10240x64xf32, #tpu.memory_space<vmem_shared>>, %arg13: memref<!tpu.dma_semaphore, #tpu.memory_space<semaphore_mem>>, %arg14: memref<!tpu.dma_semaphore, #tpu.memory_space<semaphore_mem>>, %arg15: memref<!tpu.dma_semaphore, #tpu.memory_space<semaphore_mem>>, %arg16: memref<!tpu.dma_semaphore, #tpu.memory_space<semaphore_mem>>) attributes {dimension_semantics = [#tpu.dimension_semantics<core_parallel>, #tpu.dimension_semantics<subcore_parallel>], iteration_bounds = array<i64: 2, 16>, scalar_prefetch = 0 : i64, scratch_operands = 11 : i64, tpu.core_type = #tpu.core_type<sc_vector_subcore>, window_params = [{transform_indices = #map}, {transform_indices = #map1}, {transform_indices = #map1}, {transform_indices = #map2}]} {
    %scan3A = arith.constant 0 : i32
    %scan3A_0 = arith.constant 0 : i32
    %scan3A_1 = arith.constant 80 : i32
    %scan3A_2 = arith.addi %scan3A_0, %scan3A_1 : i32
    %scan3A_3 = arith.constant 1 : i32
    %scan3A_4 = scf.for %scan3A_52 = %scan3A_0 to %scan3A_2 step %scan3A_3 iter_args(%scan3A_53 = %scan3A) -> (i32)  : i32 {
      %broadcast_in_dim3A = arith.constant 0.000000e+00 : f32
      %broadcast_in_dim3A_54 = vector.broadcast %broadcast_in_dim3A : f32 to vector<16xf32>
      %swap3A = arith.index_cast %scan3A_52 : i32 to index
      %swap3A_55 = arith.constant 0 : index
      %swap3A_56 = tpu.vector_load %arg10[%swap3A, %swap3A_55] {strides = array<i32>} : memref<80x64xf32, #tpu.memory_space<vmem>>, vector<1x16xf32>,
      %swap3A_57 = vector.shape_cast %swap3A_56 : vector<1x16xf32> to vector<16xf32>
      %swap3A_58 = vector.shape_cast %broadcast_in_dim3A_54 : vector<16xf32> to vector<1x16xf32>
      tpu.vector_store %arg10[%swap3A, %swap3A_55], %swap3A_58 {strides = array<i32>} : memref<80x64xf32, #tpu.memory_space<vmem>>, vector<1x16xf32>,
      %broadcast_in_dim3A_59 = arith.constant 0.000000e+00 : f32
      %broadcast_in_dim3A_60 = vector.broadcast %broadcast_in_dim3A_59 : f32 to vector<16xf32>
      %swap3A_61 = arith.index_cast %scan3A_52 : i32 to index
      %swap3A_62 = arith.constant 16 : index
      %swap3A_63 = tpu.vector_load %arg10[%swap3A_61, %swap3A_62] {strides = array<i32>} : memref<80x64xf32, #tpu.memory_space<vmem>>, vector<1x16xf32>,
      %swap3A_64 = vector.shape_cast %swap3A_63 : vector<1x16xf32> to vector<16xf32>
      %swap3A_65 = vector.shape_cast %broadcast_in_dim3A_60 : vector<16xf32> to vector<1x16xf32>
      tpu.vector_store %arg10[%swap3A_61, %swap3A_62], %swap3A_65 {strides = array<i32>} : memref<80x64xf32, #tpu.memory_space<vmem>>, vector<1x16xf32>,
      %broadcast_in_dim3A_66 = arith.constant 0.000000e+00 : f32
      %broadcast_in_dim3A_67 = vector.broadcast %broadcast_in_dim3A_66 : f32 to vector<16xf32>
      %swap3A_68 = arith.index_cast %scan3A_52 : i32 to index
      %swap3A_69 = arith.constant 32 : index
      %swap3A_70 = tpu.vector_load %arg10[%swap3A_68, %swap3A_69] {strides = array<i32>} : memref<80x64xf32, #tpu.memory_space<vmem>>, vector<1x16xf32>,
      %swap3A_71 = vector.shape_cast %swap3A_70 : vector<1x16xf32> to vector<16xf32>
      %swap3A_72 = vector.shape_cast %broadcast_in_dim3A_67 : vector<16xf32> to vector<1x16xf32>
      tpu.vector_store %arg10[%swap3A_68, %swap3A_69], %swap3A_72 {strides = array<i32>} : memref<80x64xf32, #tpu.memory_space<vmem>>, vector<1x16xf32>,
      %broadcast_in_dim3A_73 = arith.constant 0.000000e+00 : f32
      %broadcast_in_dim3A_74 = vector.broadcast %broadcast_in_dim3A_73 : f32 to vector<16xf32>
      %swap3A_75 = arith.index_cast %scan3A_52 : i32 to index
      %swap3A_76 = arith.constant 48 : index
      %swap3A_77 = tpu.vector_load %arg10[%swap3A_75, %swap3A_76] {strides = array<i32>} : memref<80x64xf32, #tpu.memory_space<vmem>>, vector<1x16xf32>,
      %swap3A_78 = vector.shape_cast %swap3A_77 : vector<1x16xf32> to vector<16xf32>
      %swap3A_79 = vector.shape_cast %broadcast_in_dim3A_74 : vector<16xf32> to vector<1x16xf32>
      tpu.vector_store %arg10[%swap3A_75, %swap3A_76], %swap3A_79 {strides = array<i32>} : memref<80x64xf32, #tpu.memory_space<vmem>>, vector<1x16xf32>,
      %scan3A_80 = arith.constant 0 : i32
      scf.yield %scan3A_80 : i32
    }
    %scan3A_5 = arith.constant 80 : i32
    %mul3A = arith.constant 640 : i32
    %mul3A_6 = arith.muli %arg1, %mul3A : i32
    %add3A = arith.constant 0 : i32
    %add3A_7 = arith.addi %mul3A_6, %add3A : i32
    "tpu.region"() ({
      %run_scoped3A = tpu.sem_alloc : memref<!tpu.dma_semaphore, #tpu.memory_space<semaphore_mem>>
      %dma_start3A = arith.constant 0 : i32
      %dma_start3A_52 = tpu.memref_slice %arg11[%add3A_7, %dma_start3A] : memref<10240x64xf32, #tpu.memory_space<vmem_shared>> -> memref<80x64xf32, #tpu.memory_space<vmem_shared>>
      %dma_start3A_53 = arith.constant 0 : i32
      %dma_start3A_54 = tpu.memref_slice %arg11[%add3A_7, %dma_start3A_53] : memref<10240x64xf32, #tpu.memory_space<vmem_shared>> -> memref<80x64xf32, #tpu.memory_space<vmem_shared>>
      tpu.enqueue_dma source(%arg10 : memref<80x64xf32, #tpu.memory_space<vmem>>) target(%dma_start3A_54 : memref<80x64xf32, #tpu.memory_space<vmem_shared>>) target_semaphore(%run_scoped3A : memref<!tpu.dma_semaphore, #tpu.memory_space<semaphore_mem>>)
      %dma_wait3A = arith.constant 0 : i32
      %dma_wait3A_55 = tpu.memref_slice %arg11[%add3A_7, %dma_wait3A] : memref<10240x64xf32, #tpu.memory_space<vmem_shared>> -> memref<80x64xf32, #tpu.memory_space<vmem_shared>>
      %dma_wait3A_56 = arith.constant 0 : i32
      %dma_wait3A_57 = tpu.memref_slice %arg11[%add3A_7, %dma_wait3A_56] : memref<10240x64xf32, #tpu.memory_space<vmem_shared>> -> memref<80x64xf32, #tpu.memory_space<vmem_shared>>
      tpu.wait_dma2 semaphore(%run_scoped3A : memref<!tpu.dma_semaphore, #tpu.memory_space<semaphore_mem>>) src(%arg10 : memref<80x64xf32, #tpu.memory_space<vmem>>) dst(%dma_wait3A_57 : memref<80x64xf32, #tpu.memory_space<vmem_shared>>)
      tpu.yield
    }) : () -> ()
    %mul3A_8 = arith.constant 640 : i32
    %mul3A_9 = arith.muli %arg1, %mul3A_8 : i32
    %add3A_10 = arith.constant 80 : i32
    %add3A_11 = arith.addi %mul3A_9, %add3A_10 : i32
    "tpu.region"() ({
      %run_scoped3A = tpu.sem_alloc : memref<!tpu.dma_semaphore, #tpu.memory_space<semaphore_mem>>
      %dma_start3A = arith.constant 0 : i32
      %dma_start3A_52 = tpu.memref_slice %arg11[%add3A_11, %dma_start3A] : memref<10240x64xf32, #tpu.memory_space<vmem_shared>> -> memref<80x64xf32, #tpu.memory_space<vmem_shared>>
      %dma_start3A_53 = arith.constant 0 : i32
      %dma_start3A_54 = tpu.memref_slice %arg11[%add3A_11, %dma_start3A_53] : memref<10240x64xf32, #tpu.memory_space<vmem_shared>> -> memref<80x64xf32, #tpu.memory_space<vmem_shared>>
      tpu.enqueue_dma source(%arg10 : memref<80x64xf32, #tpu.memory_space<vmem>>) target(%dma_start3A_54 : memref<80x64xf32, #tpu.memory_space<vmem_shared>>) target_semaphore(%run_scoped3A : memref<!tpu.dma_semaphore, #tpu.memory_space<semaphore_mem>>)
      %dma_wait3A = arith.constant 0 : i32
      %dma_wait3A_55 = tpu.memref_slice %arg11[%add3A_11, %dma_wait3A] : memref<10240x64xf32, #tpu.memory_space<vmem_shared>> -> memref<80x64xf32, #tpu.memory_space<vmem_shared>>
      %dma_wait3A_56 = arith.constant 0 : i32
      %dma_wait3A_57 = tpu.memref_slice %arg11[%add3A_11, %dma_wait3A_56] : memref<10240x64xf32, #tpu.memory_space<vmem_shared>> -> memref<80x64xf32, #tpu.memory_space<vmem_shared>>
      tpu.wait_dma2 semaphore(%run_scoped3A : memref<!tpu.dma_semaphore, #tpu.memory_space<semaphore_mem>>) src(%arg10 : memref<80x64xf32, #tpu.memory_space<vmem>>) dst(%dma_wait3A_57 : memref<80x64xf32, #tpu.memory_space<vmem_shared>>)
      tpu.yield
    }) : () -> ()
    %mul3A_12 = arith.constant 640 : i32
    %mul3A_13 = arith.muli %arg1, %mul3A_12 : i32
    %add3A_14 = arith.constant 160 : i32
    %add3A_15 = arith.addi %mul3A_13, %add3A_14 : i32
    "tpu.region"() ({
      %run_scoped3A = tpu.sem_alloc : memref<!tpu.dma_semaphore, #tpu.memory_space<semaphore_mem>>
      %dma_start3A = arith.constant 0 : i32
      %dma_start3A_52 = tpu.memref_slice %arg11[%add3A_15, %dma_start3A] : memref<10240x64xf32, #tpu.memory_space<vmem_shared>> -> memref<80x64xf32, #tpu.memory_space<vmem_shared>>
      %dma_start3A_53 = arith.constant 0 : i32
      %dma_start3A_54 = tpu.memref_slice %arg11[%add3A_15, %dma_start3A_53] : memref<10240x64xf32, #tpu.memory_space<vmem_shared>> -> memref<80x64xf32, #tpu.memory_space<vmem_shared>>
      tpu.enqueue_dma source(%arg10 : memref<80x64xf32, #tpu.memory_space<vmem>>) target(%dma_start3A_54 : memref<80x64xf32, #tpu.memory_space<vmem_shared>>) target_semaphore(%run_scoped3A : memref<!tpu.dma_semaphore, #tpu.memory_space<semaphore_mem>>)
      %dma_wait3A = arith.constant 0 : i32
      %dma_wait3A_55 = tpu.memref_slice %arg11[%add3A_15, %dma_wait3A] : memref<10240x64xf32, #tpu.memory_space<vmem_shared>> -> memref<80x64xf32, #tpu.memory_space<vmem_shared>>
      %dma_wait3A_56 = arith.constant 0 : i32
      %dma_wait3A_57 = tpu.memref_slice %arg11[%add3A_15, %dma_wait3A_56] : memref<10240x64xf32, #tpu.memory_space<vmem_shared>> -> memref<80x64xf32, #tpu.memory_space<vmem_shared>>
      tpu.wait_dma2 semaphore(%run_scoped3A : memref<!tpu.dma_semaphore, #tpu.memory_space<semaphore_mem>>) src(%arg10 : memref<80x64xf32, #tpu.memory_space<vmem>>) dst(%dma_wait3A_57 : memref<80x64xf32, #tpu.memory_space<vmem_shared>>)
      tpu.yield
    }) : () -> ()
    %mul3A_16 = arith.constant 640 : i32
    %mul3A_17 = arith.muli %arg1, %mul3A_16 : i32
    %add3A_18 = arith.constant 240 : i32
    %add3A_19 = arith.addi %mul3A_17, %add3A_18 : i32
    "tpu.region"() ({
      %run_scoped3A = tpu.sem_alloc : memref<!tpu.dma_semaphore, #tpu.memory_space<semaphore_mem>>
      %dma_start3A = arith.constant 0 : i32
      %dma_start3A_52 = tpu.memref_slice %arg11[%add3A_19, %dma_start3A] : memref<10240x64xf32, #tpu.memory_space<vmem_shared>> -> memref<80x64xf32, #tpu.memory_space<vmem_shared>>
      %dma_start3A_53 = arith.constant 0 : i32
      %dma_start3A_54 = tpu.memref_slice %arg11[%add3A_19, %dma_start3A_53] : memref<10240x64xf32, #tpu.memory_space<vmem_shared>> -> memref<80x64xf32, #tpu.memory_space<vmem_shared>>
      tpu.enqueue_dma source(%arg10 : memref<80x64xf32, #tpu.memory_space<vmem>>) target(%dma_start3A_54 : memref<80x64xf32, #tpu.memory_space<vmem_shared>>) target_semaphore(%run_scoped3A : memref<!tpu.dma_semaphore, #tpu.memory_space<semaphore_mem>>)
      %dma_wait3A = arith.constant 0 : i32
      %dma_wait3A_55 = tpu.memref_slice %arg11[%add3A_19, %dma_wait3A] : memref<10240x64xf32, #tpu.memory_space<vmem_shared>> -> memref<80x64xf32, #tpu.memory_space<vmem_shared>>
      %dma_wait3A_56 = arith.constant 0 : i32
      %dma_wait3A_57 = tpu.memref_slice %arg11[%add3A_19, %dma_wait3A_56] : memref<10240x64xf32, #tpu.memory_space<vmem_shared>> -> memref<80x64xf32, #tpu.memory_space<vmem_shared>>
      tpu.wait_dma2 semaphore(%run_scoped3A : memref<!tpu.dma_semaphore, #tpu.memory_space<semaphore_mem>>) src(%arg10 : memref<80x64xf32, #tpu.memory_space<vmem>>) dst(%dma_wait3A_57 : memref<80x64xf32, #tpu.memory_space<vmem_shared>>)
      tpu.yield
    }) : () -> ()
    %mul3A_20 = arith.constant 640 : i32
    %mul3A_21 = arith.muli %arg1, %mul3A_20 : i32
    %add3A_22 = arith.constant 320 : i32
    %add3A_23 = arith.addi %mul3A_21, %add3A_22 : i32
    "tpu.region"() ({
      %run_scoped3A = tpu.sem_alloc : memref<!tpu.dma_semaphore, #tpu.memory_space<semaphore_mem>>
      %dma_start3A = arith.constant 0 : i32
      %dma_start3A_52 = tpu.memref_slice %arg11[%add3A_23, %dma_start3A] : memref<10240x64xf32, #tpu.memory_space<vmem_shared>> -> memref<80x64xf32, #tpu.memory_space<vmem_shared>>
      %dma_start3A_53 = arith.constant 0 : i32
      %dma_start3A_54 = tpu.memref_slice %arg11[%add3A_23, %dma_start3A_53] : memref<10240x64xf32, #tpu.memory_space<vmem_shared>> -> memref<80x64xf32, #tpu.memory_space<vmem_shared>>
      tpu.enqueue_dma source(%arg10 : memref<80x64xf32, #tpu.memory_space<vmem>>) target(%dma_start3A_54 : memref<80x64xf32, #tpu.memory_space<vmem_shared>>) target_semaphore(%run_scoped3A : memref<!tpu.dma_semaphore, #tpu.memory_space<semaphore_mem>>)
      %dma_wait3A = arith.constant 0 : i32
      %dma_wait3A_55 = tpu.memref_slice %arg11[%add3A_23, %dma_wait3A] : memref<10240x64xf32, #tpu.memory_space<vmem_shared>> -> memref<80x64xf32, #tpu.memory_space<vmem_shared>>
      %dma_wait3A_56 = arith.constant 0 : i32
      %dma_wait3A_57 = tpu.memref_slice %arg11[%add3A_23, %dma_wait3A_56] : memref<10240x64xf32, #tpu.memory_space<vmem_shared>> -> memref<80x64xf32, #tpu.memory_space<vmem_shared>>
      tpu.wait_dma2 semaphore(%run_scoped3A : memref<!tpu.dma_semaphore, #tpu.memory_space<semaphore_mem>>) src(%arg10 : memref<80x64xf32, #tpu.memory_space<vmem>>) dst(%dma_wait3A_57 : memref<80x64xf32, #tpu.memory_space<vmem_shared>>)
      tpu.yield
    }) : () -> ()
    %mul3A_24 = arith.constant 640 : i32
    %mul3A_25 = arith.muli %arg1, %mul3A_24 : i32
    %add3A_26 = arith.constant 400 : i32
    %add3A_27 = arith.addi %mul3A_25, %add3A_26 : i32
    "tpu.region"() ({
      %run_scoped3A = tpu.sem_alloc : memref<!tpu.dma_semaphore, #tpu.memory_space<semaphore_mem>>
      %dma_start3A = arith.constant 0 : i32
      %dma_start3A_52 = tpu.memref_slice %arg11[%add3A_27, %dma_start3A] : memref<10240x64xf32, #tpu.memory_space<vmem_shared>> -> memref<80x64xf32, #tpu.memory_space<vmem_shared>>
      %dma_start3A_53 = arith.constant 0 : i32
      %dma_start3A_54 = tpu.memref_slice %arg11[%add3A_27, %dma_start3A_53] : memref<10240x64xf32, #tpu.memory_space<vmem_shared>> -> memref<80x64xf32, #tpu.memory_space<vmem_shared>>
      tpu.enqueue_dma source(%arg10 : memref<80x64xf32, #tpu.memory_space<vmem>>) target(%dma_start3A_54 : memref<80x64xf32, #tpu.memory_space<vmem_shared>>) target_semaphore(%run_scoped3A : memref<!tpu.dma_semaphore, #tpu.memory_space<semaphore_mem>>)
      %dma_wait3A = arith.constant 0 : i32
      %dma_wait3A_55 = tpu.memref_slice %arg11[%add3A_27, %dma_wait3A] : memref<10240x64xf32, #tpu.memory_space<vmem_shared>> -> memref<80x64xf32, #tpu.memory_space<vmem_shared>>
      %dma_wait3A_56 = arith.constant 0 : i32
      %dma_wait3A_57 = tpu.memref_slice %arg11[%add3A_27, %dma_wait3A_56] : memref<10240x64xf32, #tpu.memory_space<vmem_shared>> -> memref<80x64xf32, #tpu.memory_space<vmem_shared>>
      tpu.wait_dma2 semaphore(%run_scoped3A : memref<!tpu.dma_semaphore, #tpu.memory_space<semaphore_mem>>) src(%arg10 : memref<80x64xf32, #tpu.memory_space<vmem>>) dst(%dma_wait3A_57 : memref<80x64xf32, #tpu.memory_space<vmem_shared>>)
      tpu.yield
    }) : () -> ()
    %mul3A_28 = arith.constant 640 : i32
    %mul3A_29 = arith.muli %arg1, %mul3A_28 : i32
    %add3A_30 = arith.constant 480 : i32
    %add3A_31 = arith.addi %mul3A_29, %add3A_30 : i32
    "tpu.region"() ({
      %run_scoped3A = tpu.sem_alloc : memref<!tpu.dma_semaphore, #tpu.memory_space<semaphore_mem>>
      %dma_start3A = arith.constant 0 : i32
      %dma_start3A_52 = tpu.memref_slice %arg11[%add3A_31, %dma_start3A] : memref<10240x64xf32, #tpu.memory_space<vmem_shared>> -> memref<80x64xf32, #tpu.memory_space<vmem_shared>>
      %dma_start3A_53 = arith.constant 0 : i32
      %dma_start3A_54 = tpu.memref_slice %arg11[%add3A_31, %dma_start3A_53] : memref<10240x64xf32, #tpu.memory_space<vmem_shared>> -> memref<80x64xf32, #tpu.memory_space<vmem_shared>>
      tpu.enqueue_dma source(%arg10 : memref<80x64xf32, #tpu.memory_space<vmem>>) target(%dma_start3A_54 : memref<80x64xf32, #tpu.memory_space<vmem_shared>>) target_semaphore(%run_scoped3A : memref<!tpu.dma_semaphore, #tpu.memory_space<semaphore_mem>>)
      %dma_wait3A = arith.constant 0 : i32
      %dma_wait3A_55 = tpu.memref_slice %arg11[%add3A_31, %dma_wait3A] : memref<10240x64xf32, #tpu.memory_space<vmem_shared>> -> memref<80x64xf32, #tpu.memory_space<vmem_shared>>
      %dma_wait3A_56 = arith.constant 0 : i32
      %dma_wait3A_57 = tpu.memref_slice %arg11[%add3A_31, %dma_wait3A_56] : memref<10240x64xf32, #tpu.memory_space<vmem_shared>> -> memref<80x64xf32, #tpu.memory_space<vmem_shared>>
      tpu.wait_dma2 semaphore(%run_scoped3A : memref<!tpu.dma_semaphore, #tpu.memory_space<semaphore_mem>>) src(%arg10 : memref<80x64xf32, #tpu.memory_space<vmem>>) dst(%dma_wait3A_57 : memref<80x64xf32, #tpu.memory_space<vmem_shared>>)
      tpu.yield
    }) : () -> ()
    %mul3A_32 = arith.constant 640 : i32
    %mul3A_33 = arith.muli %arg1, %mul3A_32 : i32
    %add3A_34 = arith.constant 560 : i32
    %add3A_35 = arith.addi %mul3A_33, %add3A_34 : i32
    "tpu.region"() ({
      %run_scoped3A = tpu.sem_alloc : memref<!tpu.dma_semaphore, #tpu.memory_space<semaphore_mem>>
      %dma_start3A = arith.constant 0 : i32
      %dma_start3A_52 = tpu.memref_slice %arg11[%add3A_35, %dma_start3A] : memref<10240x64xf32, #tpu.memory_space<vmem_shared>> -> memref<80x64xf32, #tpu.memory_space<vmem_shared>>
      %dma_start3A_53 = arith.constant 0 : i32
      %dma_start3A_54 = tpu.memref_slice %arg11[%add3A_35, %dma_start3A_53] : memref<10240x64xf32, #tpu.memory_space<vmem_shared>> -> memref<80x64xf32, #tpu.memory_space<vmem_shared>>
      tpu.enqueue_dma source(%arg10 : memref<80x64xf32, #tpu.memory_space<vmem>>) target(%dma_start3A_54 : memref<80x64xf32, #tpu.memory_space<vmem_shared>>) target_semaphore(%run_scoped3A : memref<!tpu.dma_semaphore, #tpu.memory_space<semaphore_mem>>)
      %dma_wait3A = arith.constant 0 : i32
      %dma_wait3A_55 = tpu.memref_slice %arg11[%add3A_35, %dma_wait3A] : memref<10240x64xf32, #tpu.memory_space<vmem_shared>> -> memref<80x64xf32, #tpu.memory_space<vmem_shared>>
      %dma_wait3A_56 = arith.constant 0 : i32
      %dma_wait3A_57 = tpu.memref_slice %arg11[%add3A_35, %dma_wait3A_56] : memref<10240x64xf32, #tpu.memory_space<vmem_shared>> -> memref<80x64xf32, #tpu.memory_space<vmem_shared>>
      tpu.wait_dma2 semaphore(%run_scoped3A : memref<!tpu.dma_semaphore, #tpu.memory_space<semaphore_mem>>) src(%arg10 : memref<80x64xf32, #tpu.memory_space<vmem>>) dst(%dma_wait3A_57 : memref<80x64xf32, #tpu.memory_space<vmem_shared>>)
      tpu.yield
    }) : () -> ()
    %mul3A_36 = arith.constant 640 : i32
    %mul3A_37 = arith.muli %arg1, %mul3A_36 : i32
    %mul3A_38 = arith.constant 640 : i32
    %mul3A_39 = arith.muli %arg1, %mul3A_38 : i32
    "tpu.region"() ({
      %run_scoped3A = tpu.sem_alloc : memref<!tpu.dma_semaphore, #tpu.memory_space<semaphore_mem>>
      %dma_start3A = arith.constant 0 : i32
      %dma_start3A_52 = tpu.memref_slice %arg12[%mul3A_39, %dma_start3A] : memref<10240x64xf32, #tpu.memory_space<vmem_shared>> -> memref<640x64xf32, #tpu.memory_space<vmem_shared>>
      %dma_start3A_53 = arith.constant 0 : i32
      %dma_start3A_54 = tpu.memref_slice %arg2[%mul3A_37, %dma_start3A_53] : memref<10240x64xf32, #tpu.memory_space<hbm>> -> memref<640x64xf32, #tpu.memory_space<hbm>>
      tpu.enqueue_dma source(%dma_start3A_54 : memref<640x64xf32, #tpu.memory_space<hbm>>) target(%dma_start3A_52 : memref<640x64xf32, #tpu.memory_space<vmem_shared>>) target_semaphore(%run_scoped3A : memref<!tpu.dma_semaphore, #tpu.memory_space<semaphore_mem>>)
      %dma_wait3A = arith.constant 0 : i32
      %dma_wait3A_55 = tpu.memref_slice %arg12[%mul3A_39, %dma_wait3A] : memref<10240x64xf32, #tpu.memory_space<vmem_shared>> -> memref<640x64xf32, #tpu.memory_space<vmem_shared>>
      %dma_wait3A_56 = arith.constant 0 : i32
      %dma_wait3A_57 = tpu.memref_slice %arg2[%mul3A_37, %dma_wait3A_56] : memref<10240x64xf32, #tpu.memory_space<hbm>> -> memref<640x64xf32, #tpu.memory_space<hbm>>
      tpu.wait_dma2 semaphore(%run_scoped3A : memref<!tpu.dma_semaphore, #tpu.memory_space<semaphore_mem>>) src(%dma_wait3A_57 : memref<640x64xf32, #tpu.memory_space<hbm>>) dst(%dma_wait3A_55 : memref<640x64xf32, #tpu.memory_space<vmem_shared>>)
      tpu.yield
    }) : () -> ()
    "tpu.region"() ({
      %run_scoped3A = tpu.sem_alloc : memref<!tpu.dma_semaphore, #tpu.memory_space<semaphore_mem>>
      %dma_start3A = arith.constant 0 : i32
      %dma_start3A_52 = arith.constant 0 : i32
      %dma_start3A_53 = tpu.memref_slice %arg3[%arg0, %arg1, %dma_start3A, %dma_start3A_52] : memref<2x16x80x128xi32, #tpu.memory_space<hbm>> -> memref<1x1x80x128xi32, #tpu.memory_space<hbm>>
      %dma_start3A_54 = tpu.memref_squeeze %dma_start3A_53 : memref<1x1x80x128xi32, #tpu.memory_space<hbm>> -> memref<80x128xi32, #tpu.memory_space<hbm>>
      %dma_start3A_55 = arith.constant 0 : i32
      %dma_start3A_56 = arith.constant 0 : i32
      %dma_start3A_57 = tpu.memref_slice %arg3[%arg0, %arg1, %dma_start3A_55, %dma_start3A_56] : memref<2x16x80x128xi32, #tpu.memory_space<hbm>> -> memref<1x1x80x128xi32, #tpu.memory_space<hbm>>
      %dma_start3A_58 = tpu.memref_squeeze %dma_start3A_57 : memref<1x1x80x128xi32, #tpu.memory_space<hbm>> -> memref<80x128xi32, #tpu.memory_space<hbm>>
      tpu.enqueue_dma source(%dma_start3A_58 : memref<80x128xi32, #tpu.memory_space<hbm>>) target(%arg6 : memref<80x128xi32, #tpu.memory_space<vmem>>) target_semaphore(%run_scoped3A : memref<!tpu.dma_semaphore, #tpu.memory_space<semaphore_mem>>)
      %dma_wait3A = arith.constant 0 : i32
      %dma_wait3A_59 = arith.constant 0 : i32
      %dma_wait3A_60 = tpu.memref_slice %arg3[%arg0, %arg1, %dma_wait3A, %dma_wait3A_59] : memref<2x16x80x128xi32, #tpu.memory_space<hbm>> -> memref<1x1x80x128xi32, #tpu.memory_space<hbm>>
      %dma_wait3A_61 = tpu.memref_squeeze %dma_wait3A_60 : memref<1x1x80x128xi32, #tpu.memory_space<hbm>> -> memref<80x128xi32, #tpu.memory_space<hbm>>
      %dma_wait3A_62 = arith.constant 0 : i32
      %dma_wait3A_63 = arith.constant 0 : i32
      %dma_wait3A_64 = tpu.memref_slice %arg3[%arg0, %arg1, %dma_wait3A_62, %dma_wait3A_63] : memref<2x16x80x128xi32, #tpu.memory_space<hbm>> -> memref<1x1x80x128xi32, #tpu.memory_space<hbm>>
      %dma_wait3A_65 = tpu.memref_squeeze %dma_wait3A_64 : memref<1x1x80x128xi32, #tpu.memory_space<hbm>> -> memref<80x128xi32, #tpu.memory_space<hbm>>
      tpu.wait_dma2 semaphore(%run_scoped3A : memref<!tpu.dma_semaphore, #tpu.memory_space<semaphore_mem>>) src(%dma_wait3A_65 : memref<80x128xi32, #tpu.memory_space<hbm>>) dst(%arg6 : memref<80x128xi32, #tpu.memory_space<vmem>>)
      tpu.yield
    }) : () -> ()
    "tpu.region"() ({
      %run_scoped3A = tpu.sem_alloc : memref<!tpu.dma_semaphore, #tpu.memory_space<semaphore_mem>>
      %dma_start3A = arith.constant 0 : i32
      %dma_start3A_52 = arith.constant 0 : i32
      %dma_start3A_53 = tpu.memref_slice %arg4[%arg0, %arg1, %dma_start3A, %dma_start3A_52] : memref<2x16x80x128xi32, #tpu.memory_space<hbm>> -> memref<1x1x80x128xi32, #tpu.memory_space<hbm>>
      %dma_start3A_54 = tpu.memref_squeeze %dma_start3A_53 : memref<1x1x80x128xi32, #tpu.memory_space<hbm>> -> memref<80x128xi32, #tpu.memory_space<hbm>>
      %dma_start3A_55 = arith.constant 0 : i32
      %dma_start3A_56 = arith.constant 0 : i32
      %dma_start3A_57 = tpu.memref_slice %arg4[%arg0, %arg1, %dma_start3A_55, %dma_start3A_56] : memref<2x16x80x128xi32, #tpu.memory_space<hbm>> -> memref<1x1x80x128xi32, #tpu.memory_space<hbm>>
      %dma_start3A_58 = tpu.memref_squeeze %dma_start3A_57 : memref<1x1x80x128xi32, #tpu.memory_space<hbm>> -> memref<80x128xi32, #tpu.memory_space<hbm>>
      tpu.enqueue_dma source(%dma_start3A_58 : memref<80x128xi32, #tpu.memory_space<hbm>>) target(%arg7 : memref<80x128xi32, #tpu.memory_space<vmem>>) target_semaphore(%run_scoped3A : memref<!tpu.dma_semaphore, #tpu.memory_space<semaphore_mem>>)
      %dma_wait3A = arith.constant 0 : i32
      %dma_wait3A_59 = arith.constant 0 : i32
      %dma_wait3A_60 = tpu.memref_slice %arg4[%arg0, %arg1, %dma_wait3A, %dma_wait3A_59] : memref<2x16x80x128xi32, #tpu.memory_space<hbm>> -> memref<1x1x80x128xi32, #tpu.memory_space<hbm>>
      %dma_wait3A_61 = tpu.memref_squeeze %dma_wait3A_60 : memref<1x1x80x128xi32, #tpu.memory_space<hbm>> -> memref<80x128xi32, #tpu.memory_space<hbm>>
      %dma_wait3A_62 = arith.constant 0 : i32
      %dma_wait3A_63 = arith.constant 0 : i32
      %dma_wait3A_64 = tpu.memref_slice %arg4[%arg0, %arg1, %dma_wait3A_62, %dma_wait3A_63] : memref<2x16x80x128xi32, #tpu.memory_space<hbm>> -> memref<1x1x80x128xi32, #tpu.memory_space<hbm>>
      %dma_wait3A_65 = tpu.memref_squeeze %dma_wait3A_64 : memref<1x1x80x128xi32, #tpu.memory_space<hbm>> -> memref<80x128xi32, #tpu.memory_space<hbm>>
      tpu.wait_dma2 semaphore(%run_scoped3A : memref<!tpu.dma_semaphore, #tpu.memory_space<semaphore_mem>>) src(%dma_wait3A_65 : memref<80x128xi32, #tpu.memory_space<hbm>>) dst(%arg7 : memref<80x128xi32, #tpu.memory_space<vmem>>)
      tpu.yield
    }) : () -> ()
    %barrier3A = arith.constant 0 : index
    tpu.barrier barrier_id(%barrier3A)
    %scan3A_40 = arith.constant 0 : i32
    %scan3A_41 = arith.constant 0 : i32
    %scan3A_42 = arith.constant 40 : i32
    %scan3A_43 = arith.addi %scan3A_41, %scan3A_42 : i32
    %scan3A_44 = arith.constant 1 : i32
    %scan3A_45 = scf.for %scan3A_52 = %scan3A_41 to %scan3A_43 step %scan3A_44 iter_args(%scan3A_53 = %scan3A_40) -> (i32)  : i32 {
      %mul3A_54 = arith.constant 2 : i32
      %mul3A_55 = arith.muli %scan3A_52, %mul3A_54 : i32
      %dma_start3A = arith.constant 0 : i32
      %dma_start3A_56 = tpu.memref_slice %arg6[%mul3A_55, %dma_start3A] : memref<80x128xi32, #tpu.memory_space<vmem>> -> memref<1x128xi32, #tpu.memory_space<vmem>>
      %dma_start3A_57 = tpu.memref_squeeze %dma_start3A_56 : memref<1x128xi32, #tpu.memory_space<vmem>> -> memref<128xi32, #tpu.memory_space<vmem>>
      %dma_start3A_58 = arith.constant 0 : i32
      %dma_start3A_59 = arith.constant 0 : i32
      %dma_start3A_60 = tpu.memref_slice %arg12[%dma_start3A_58, %dma_start3A_59] : memref<10240x64xf32, #tpu.memory_space<vmem_shared>> -> memref<10240x64xf32, #tpu.memory_space<vmem_shared>>
      tpu.enqueue_indirect_dma source(%dma_start3A_60 : memref<10240x64xf32, #tpu.memory_space<vmem_shared>>) target(%arg8 : memref<128x64xf32, #tpu.memory_space<vmem>>) offsets(%dma_start3A_57 : memref<128xi32, #tpu.memory_space<vmem>>) semaphore(%arg13 : memref<!tpu.dma_semaphore, #tpu.memory_space<semaphore_mem>>)
      %add3A_61 = arith.constant 1 : i32
      %add3A_62 = arith.addi %mul3A_55, %add3A_61 : i32
      %dma_start3A_63 = arith.constant 0 : i32
      %dma_start3A_64 = tpu.memref_slice %arg6[%add3A_62, %dma_start3A_63] : memref<80x128xi32, #tpu.memory_space<vmem>> -> memref<1x128xi32, #tpu.memory_space<vmem>>
      %dma_start3A_65 = tpu.memref_squeeze %dma_start3A_64 : memref<1x128xi32, #tpu.memory_space<vmem>> -> memref<128xi32, #tpu.memory_space<vmem>>
      %dma_start3A_66 = arith.constant 0 : i32
      %dma_start3A_67 = arith.constant 0 : i32
      %dma_start3A_68 = tpu.memref_slice %arg12[%dma_start3A_66, %dma_start3A_67] : memref<10240x64xf32, #tpu.memory_space<vmem_shared>> -> memref<10240x64xf32, #tpu.memory_space<vmem_shared>>
      tpu.enqueue_indirect_dma source(%dma_start3A_68 : memref<10240x64xf32, #tpu.memory_space<vmem_shared>>) target(%arg9 : memref<128x64xf32, #tpu.memory_space<vmem>>) offsets(%dma_start3A_65 : memref<128xi32, #tpu.memory_space<vmem>>) semaphore(%arg14 : memref<!tpu.dma_semaphore, #tpu.memory_space<semaphore_mem>>)
      %dma_wait3A = arith.constant 0 : i32
      %dma_wait3A_69 = tpu.memref_slice %arg6[%mul3A_55, %dma_wait3A] : memref<80x128xi32, #tpu.memory_space<vmem>> -> memref<1x128xi32, #tpu.memory_space<vmem>>
      %dma_wait3A_70 = tpu.memref_squeeze %dma_wait3A_69 : memref<1x128xi32, #tpu.memory_space<vmem>> -> memref<128xi32, #tpu.memory_space<vmem>>
      %dma_wait3A_71 = arith.constant 0 : i32
      %dma_wait3A_72 = arith.constant 0 : i32
      %dma_wait3A_73 = tpu.memref_slice %arg12[%dma_wait3A_71, %dma_wait3A_72] : memref<10240x64xf32, #tpu.memory_space<vmem_shared>> -> memref<10240x64xf32, #tpu.memory_space<vmem_shared>>
      tpu.wait_indirect_dma semaphore(%arg13 : memref<!tpu.dma_semaphore, #tpu.memory_space<semaphore_mem>>) src(%dma_wait3A_73 : memref<10240x64xf32, #tpu.memory_space<vmem_shared>>) dst(%arg8 : memref<128x64xf32, #tpu.memory_space<vmem>>)
      %dma_start3A_74 = arith.constant 0 : i32
      %dma_start3A_75 = tpu.memref_slice %arg7[%mul3A_55, %dma_start3A_74] : memref<80x128xi32, #tpu.memory_space<vmem>> -> memref<1x128xi32, #tpu.memory_space<vmem>>
      %dma_start3A_76 = tpu.memref_squeeze %dma_start3A_75 : memref<1x128xi32, #tpu.memory_space<vmem>> -> memref<128xi32, #tpu.memory_space<vmem>>
      %dma_start3A_77 = arith.constant 0 : i32
      %dma_start3A_78 = arith.constant 0 : i32
      %dma_start3A_79 = tpu.memref_slice %arg11[%dma_start3A_77, %dma_start3A_78] : memref<10240x64xf32, #tpu.memory_space<vmem_shared>> -> memref<10240x64xf32, #tpu.memory_space<vmem_shared>>
      tpu.enqueue_indirect_dma source(%arg8 : memref<128x64xf32, #tpu.memory_space<vmem>>) target(%dma_start3A_79 : memref<10240x64xf32, #tpu.memory_space<vmem_shared>>) offsets(%dma_start3A_76 : memref<128xi32, #tpu.memory_space<vmem>>) semaphore(%arg15 : memref<!tpu.dma_semaphore, #tpu.memory_space<semaphore_mem>>) {add = true}
      %dma_wait3A_80 = arith.constant 0 : i32
      %dma_wait3A_81 = tpu.memref_slice %arg6[%add3A_62, %dma_wait3A_80] : memref<80x128xi32, #tpu.memory_space<vmem>> -> memref<1x128xi32, #tpu.memory_space<vmem>>
      %dma_wait3A_82 = tpu.memref_squeeze %dma_wait3A_81 : memref<1x128xi32, #tpu.memory_space<vmem>> -> memref<128xi32, #tpu.memory_space<vmem>>
      %dma_wait3A_83 = arith.constant 0 : i32
      %dma_wait3A_84 = arith.constant 0 : i32
      %dma_wait3A_85 = tpu.memref_slice %arg12[%dma_wait3A_83, %dma_wait3A_84] : memref<10240x64xf32, #tpu.memory_space<vmem_shared>> -> memref<10240x64xf32, #tpu.memory_space<vmem_shared>>
      tpu.wait_indirect_dma semaphore(%arg14 : memref<!tpu.dma_semaphore, #tpu.memory_space<semaphore_mem>>) src(%dma_wait3A_85 : memref<10240x64xf32, #tpu.memory_space<vmem_shared>>) dst(%arg9 : memref<128x64xf32, #tpu.memory_space<vmem>>)
      %add3A_86 = arith.constant 1 : i32
      %add3A_87 = arith.addi %mul3A_55, %add3A_86 : i32
      %dma_start3A_88 = arith.constant 0 : i32
      %dma_start3A_89 = tpu.memref_slice %arg7[%add3A_87, %dma_start3A_88] : memref<80x128xi32, #tpu.memory_space<vmem>> -> memref<1x128xi32, #tpu.memory_space<vmem>>
      %dma_start3A_90 = tpu.memref_squeeze %dma_start3A_89 : memref<1x128xi32, #tpu.memory_space<vmem>> -> memref<128xi32, #tpu.memory_space<vmem>>
      %dma_start3A_91 = arith.constant 0 : i32
      %dma_start3A_92 = arith.constant 0 : i32
      %dma_start3A_93 = tpu.memref_slice %arg11[%dma_start3A_91, %dma_start3A_92] : memref<10240x64xf32, #tpu.memory_space<vmem_shared>> -> memref<10240x64xf32, #tpu.memory_space<vmem_shared>>
      tpu.enqueue_indirect_dma source(%arg9 : memref<128x64xf32, #tpu.memory_space<vmem>>) target(%dma_start3A_93 : memref<10240x64xf32, #tpu.memory_space<vmem_shared>>) offsets(%dma_start3A_90 : memref<128xi32, #tpu.memory_space<vmem>>) semaphore(%arg16 : memref<!tpu.dma_semaphore, #tpu.memory_space<semaphore_mem>>) {add = true}
      %dma_wait3A_94 = arith.constant 0 : i32
      %dma_wait3A_95 = tpu.memref_slice %arg7[%mul3A_55, %dma_wait3A_94] : memref<80x128xi32, #tpu.memory_space<vmem>> -> memref<1x128xi32, #tpu.memory_space<vmem>>
      %dma_wait3A_96 = tpu.memref_squeeze %dma_wait3A_95 : memref<1x128xi32, #tpu.memory_space<vmem>> -> memref<128xi32, #tpu.memory_space<vmem>>
      %dma_wait3A_97 = arith.constant 0 : i32
      %dma_wait3A_98 = arith.constant 0 : i32
      %dma_wait3A_99 = tpu.memref_slice %arg11[%dma_wait3A_97, %dma_wait3A_98] : memref<10240x64xf32, #tpu.memory_space<vmem_shared>> -> memref<10240x64xf32, #tpu.memory_space<vmem_shared>>
      tpu.wait_indirect_dma semaphore(%arg15 : memref<!tpu.dma_semaphore, #tpu.memory_space<semaphore_mem>>) src(%arg8 : memref<128x64xf32, #tpu.memory_space<vmem>>) dst(%dma_wait3A_99 : memref<10240x64xf32, #tpu.memory_space<vmem_shared>>)
      %dma_wait3A_100 = arith.constant 0 : i32
      %dma_wait3A_101 = tpu.memref_slice %arg7[%add3A_87, %dma_wait3A_100] : memref<80x128xi32, #tpu.memory_space<vmem>> -> memref<1x128xi32, #tpu.memory_space<vmem>>
      %dma_wait3A_102 = tpu.memref_squeeze %dma_wait3A_101 : memref<1x128xi32, #tpu.memory_space<vmem>> -> memref<128xi32, #tpu.memory_space<vmem>>
      %dma_wait3A_103 = arith.constant 0 : i32
      %dma_wait3A_104 = arith.constant 0 : i32
      %dma_wait3A_105 = tpu.memref_slice %arg11[%dma_wait3A_103, %dma_wait3A_104] : memref<10240x64xf32, #tpu.memory_space<vmem_shared>> -> memref<10240x64xf32, #tpu.memory_space<vmem_shared>>
      tpu.wait_indirect_dma semaphore(%arg16 : memref<!tpu.dma_semaphore, #tpu.memory_space<semaphore_mem>>) src(%arg9 : memref<128x64xf32, #tpu.memory_space<vmem>>) dst(%dma_wait3A_105 : memref<10240x64xf32, #tpu.memory_space<vmem_shared>>)
      %scan3A_106 = arith.constant 0 : i32
      scf.yield %scan3A_106 : i32
    }
    %scan3A_46 = arith.constant 40 : i32
    %barrier3A_47 = arith.constant 0 : index
    tpu.barrier barrier_id(%barrier3A_47)
    %mul3A_48 = arith.constant 640 : i32
    %mul3A_49 = arith.muli %arg1, %mul3A_48 : i32
    %mul3A_50 = arith.constant 640 : i32
    %mul3A_51 = arith.muli %arg1, %mul3A_50 : i32
    "tpu.region"() ({
      %run_scoped3A = tpu.sem_alloc : memref<!tpu.dma_semaphore, #tpu.memory_space<semaphore_mem>>
      %dma_start3A = arith.constant 0 : i32
      %dma_start3A_52 = tpu.memref_slice %arg5[%arg0, %mul3A_51, %dma_start3A] : memref<2x10240x64xf32, #tpu.memory_space<hbm>> -> memref<1x640x64xf32, #tpu.memory_space<hbm>>
      %dma_start3A_53 = tpu.memref_squeeze %dma_start3A_52 : memref<1x640x64xf32, #tpu.memory_space<hbm>> -> memref<640x64xf32, #tpu.memory_space<hbm>>
      %dma_start3A_54 = arith.constant 0 : i32
      %dma_start3A_55 = tpu.memref_slice %arg11[%mul3A_49, %dma_start3A_54] : memref<10240x64xf32, #tpu.memory_space<vmem_shared>> -> memref<640x64xf32, #tpu.memory_space<vmem_shared>>
      tpu.enqueue_dma source(%dma_start3A_55 : memref<640x64xf32, #tpu.memory_space<vmem_shared>>) target(%dma_start3A_53 : memref<640x64xf32, #tpu.memory_space<hbm>>) target_semaphore(%run_scoped3A : memref<!tpu.dma_semaphore, #tpu.memory_space<semaphore_mem>>)
      %dma_wait3A = arith.constant 0 : i32
      %dma_wait3A_56 = tpu.memref_slice %arg5[%arg0, %mul3A_51, %dma_wait3A] : memref<2x10240x64xf32, #tpu.memory_space<hbm>> -> memref<1x640x64xf32, #tpu.memory_space<hbm>>
      %dma_wait3A_57 = tpu.memref_squeeze %dma_wait3A_56 : memref<1x640x64xf32, #tpu.memory_space<hbm>> -> memref<640x64xf32, #tpu.memory_space<hbm>>
      %dma_wait3A_58 = arith.constant 0 : i32
      %dma_wait3A_59 = tpu.memref_slice %arg11[%mul3A_49, %dma_wait3A_58] : memref<10240x64xf32, #tpu.memory_space<vmem_shared>> -> memref<640x64xf32, #tpu.memory_space<vmem_shared>>
      tpu.wait_dma2 semaphore(%run_scoped3A : memref<!tpu.dma_semaphore, #tpu.memory_space<semaphore_mem>>) src(%dma_wait3A_59 : memref<640x64xf32, #tpu.memory_space<vmem_shared>>) dst(%dma_wait3A_57 : memref<640x64xf32, #tpu.memory_space<hbm>>)
      tpu.yield
    }) : () -> ()
    return
  }
}

#map = affine_map<(d0, d1) -> (0, 0)>
#map1 = affine_map<(d0, d1) -> (0, 0, 0, 0)>
#map2 = affine_map<(d0, d1) -> (0, 0, 0)>
module attributes {stable_mosaic.version = 14 : i64} {
  func.func @_agg_body(%arg0: i32, %arg1: i32, %arg2: memref<10240x64xf32, #tpu.memory_space<hbm>>, %arg3: memref<2x16x80x128xi32, #tpu.memory_space<hbm>>, %arg4: memref<2x16x80x128xi32, #tpu.memory_space<hbm>>, %arg5: memref<2x10240x64xf32, #tpu.memory_space<hbm>>, %arg6: memref<80x128xi32, #tpu.memory_space<vmem>>, %arg7: memref<80x128xi32, #tpu.memory_space<vmem>>, %arg8: memref<128x64xf32, #tpu.memory_space<vmem>>, %arg9: memref<128x64xf32, #tpu.memory_space<vmem>>, %arg10: memref<80x64xf32, #tpu.memory_space<vmem>>, %arg11: memref<10240x64xf32, #tpu.memory_space<vmem_shared>>, %arg12: memref<10240x64xf32, #tpu.memory_space<vmem_shared>>, %arg13: memref<!tpu.dma_semaphore, #tpu.memory_space<semaphore_mem>>, %arg14: memref<!tpu.dma_semaphore, #tpu.memory_space<semaphore_mem>>, %arg15: memref<!tpu.dma_semaphore, #tpu.memory_space<semaphore_mem>>, %arg16: memref<!tpu.dma_semaphore, #tpu.memory_space<semaphore_mem>>) attributes {dimension_semantics = [#tpu.dimension_semantics<core_parallel>, #tpu.dimension_semantics<subcore_parallel>], iteration_bounds = array<i64: 2, 16>, scalar_prefetch = 0 : i64, scratch_operands = 11 : i64, tpu.core_type = #tpu.core_type<sc_vector_subcore>, window_params = [{transform_indices = #map}, {transform_indices = #map1}, {transform_indices = #map1}, {transform_indices = #map2}]} {
    %scan3A = arith.constant 0 : i32
    %scan3A_0 = arith.constant 0 : i32
    %scan3A_1 = arith.constant 80 : i32
    %scan3A_2 = arith.addi %scan3A_0, %scan3A_1 : i32
    %scan3A_3 = arith.constant 1 : i32
    %scan3A_4 = scf.for %scan3A_52 = %scan3A_0 to %scan3A_2 step %scan3A_3 iter_args(%scan3A_53 = %scan3A) -> (i32)  : i32 {
      %broadcast_in_dim3A = arith.constant 0.000000e+00 : f32
      %broadcast_in_dim3A_54 = vector.broadcast %broadcast_in_dim3A : f32 to vector<16xf32>
      %swap3A = arith.index_cast %scan3A_52 : i32 to index
      %swap3A_55 = arith.constant 0 : index
      %swap3A_56 = tpu.vector_load %arg10[%swap3A, %swap3A_55] {strides = array<i32>} : memref<80x64xf32, #tpu.memory_space<vmem>>, vector<1x16xf32>,
      %swap3A_57 = vector.shape_cast %swap3A_56 : vector<1x16xf32> to vector<16xf32>
      %swap3A_58 = vector.shape_cast %broadcast_in_dim3A_54 : vector<16xf32> to vector<1x16xf32>
      tpu.vector_store %arg10[%swap3A, %swap3A_55], %swap3A_58 {strides = array<i32>} : memref<80x64xf32, #tpu.memory_space<vmem>>, vector<1x16xf32>,
      %broadcast_in_dim3A_59 = arith.constant 0.000000e+00 : f32
      %broadcast_in_dim3A_60 = vector.broadcast %broadcast_in_dim3A_59 : f32 to vector<16xf32>
      %swap3A_61 = arith.index_cast %scan3A_52 : i32 to index
      %swap3A_62 = arith.constant 16 : index
      %swap3A_63 = tpu.vector_load %arg10[%swap3A_61, %swap3A_62] {strides = array<i32>} : memref<80x64xf32, #tpu.memory_space<vmem>>, vector<1x16xf32>,
      %swap3A_64 = vector.shape_cast %swap3A_63 : vector<1x16xf32> to vector<16xf32>
      %swap3A_65 = vector.shape_cast %broadcast_in_dim3A_60 : vector<16xf32> to vector<1x16xf32>
      tpu.vector_store %arg10[%swap3A_61, %swap3A_62], %swap3A_65 {strides = array<i32>} : memref<80x64xf32, #tpu.memory_space<vmem>>, vector<1x16xf32>,
      %broadcast_in_dim3A_66 = arith.constant 0.000000e+00 : f32
      %broadcast_in_dim3A_67 = vector.broadcast %broadcast_in_dim3A_66 : f32 to vector<16xf32>
      %swap3A_68 = arith.index_cast %scan3A_52 : i32 to index
      %swap3A_69 = arith.constant 32 : index
      %swap3A_70 = tpu.vector_load %arg10[%swap3A_68, %swap3A_69] {strides = array<i32>} : memref<80x64xf32, #tpu.memory_space<vmem>>, vector<1x16xf32>,
      %swap3A_71 = vector.shape_cast %swap3A_70 : vector<1x16xf32> to vector<16xf32>
      %swap3A_72 = vector.shape_cast %broadcast_in_dim3A_67 : vector<16xf32> to vector<1x16xf32>
      tpu.vector_store %arg10[%swap3A_68, %swap3A_69], %swap3A_72 {strides = array<i32>} : memref<80x64xf32, #tpu.memory_space<vmem>>, vector<1x16xf32>,
      %broadcast_in_dim3A_73 = arith.constant 0.000000e+00 : f32
      %broadcast_in_dim3A_74 = vector.broadcast %broadcast_in_dim3A_73 : f32 to vector<16xf32>
      %swap3A_75 = arith.index_cast %scan3A_52 : i32 to index
      %swap3A_76 = arith.constant 48 : index
      %swap3A_77 = tpu.vector_load %arg10[%swap3A_75, %swap3A_76] {strides = array<i32>} : memref<80x64xf32, #tpu.memory_space<vmem>>, vector<1x16xf32>,
      %swap3A_78 = vector.shape_cast %swap3A_77 : vector<1x16xf32> to vector<16xf32>
      %swap3A_79 = vector.shape_cast %broadcast_in_dim3A_74 : vector<16xf32> to vector<1x16xf32>
      tpu.vector_store %arg10[%swap3A_75, %swap3A_76], %swap3A_79 {strides = array<i32>} : memref<80x64xf32, #tpu.memory_space<vmem>>, vector<1x16xf32>,
      %scan3A_80 = arith.constant 0 : i32
      scf.yield %scan3A_80 : i32
    }
    %scan3A_5 = arith.constant 80 : i32
    %mul3A = arith.constant 640 : i32
    %mul3A_6 = arith.muli %arg1, %mul3A : i32
    %add3A = arith.constant 0 : i32
    %add3A_7 = arith.addi %mul3A_6, %add3A : i32
    "tpu.region"() ({
      %run_scoped3A = tpu.sem_alloc : memref<!tpu.dma_semaphore, #tpu.memory_space<semaphore_mem>>
      %dma_start3A = arith.constant 0 : i32
      %dma_start3A_52 = tpu.memref_slice %arg11[%add3A_7, %dma_start3A] : memref<10240x64xf32, #tpu.memory_space<vmem_shared>> -> memref<80x64xf32, #tpu.memory_space<vmem_shared>>
      %dma_start3A_53 = arith.constant 0 : i32
      %dma_start3A_54 = tpu.memref_slice %arg11[%add3A_7, %dma_start3A_53] : memref<10240x64xf32, #tpu.memory_space<vmem_shared>> -> memref<80x64xf32, #tpu.memory_space<vmem_shared>>
      tpu.enqueue_dma source(%arg10 : memref<80x64xf32, #tpu.memory_space<vmem>>) target(%dma_start3A_54 : memref<80x64xf32, #tpu.memory_space<vmem_shared>>) target_semaphore(%run_scoped3A : memref<!tpu.dma_semaphore, #tpu.memory_space<semaphore_mem>>)
      %dma_wait3A = arith.constant 0 : i32
      %dma_wait3A_55 = tpu.memref_slice %arg11[%add3A_7, %dma_wait3A] : memref<10240x64xf32, #tpu.memory_space<vmem_shared>> -> memref<80x64xf32, #tpu.memory_space<vmem_shared>>
      %dma_wait3A_56 = arith.constant 0 : i32
      %dma_wait3A_57 = tpu.memref_slice %arg11[%add3A_7, %dma_wait3A_56] : memref<10240x64xf32, #tpu.memory_space<vmem_shared>> -> memref<80x64xf32, #tpu.memory_space<vmem_shared>>
      tpu.wait_dma2 semaphore(%run_scoped3A : memref<!tpu.dma_semaphore, #tpu.memory_space<semaphore_mem>>) src(%arg10 : memref<80x64xf32, #tpu.memory_space<vmem>>) dst(%dma_wait3A_57 : memref<80x64xf32, #tpu.memory_space<vmem_shared>>)
      tpu.yield
    }) : () -> ()
    %mul3A_8 = arith.constant 640 : i32
    %mul3A_9 = arith.muli %arg1, %mul3A_8 : i32
    %add3A_10 = arith.constant 80 : i32
    %add3A_11 = arith.addi %mul3A_9, %add3A_10 : i32
    "tpu.region"() ({
      %run_scoped3A = tpu.sem_alloc : memref<!tpu.dma_semaphore, #tpu.memory_space<semaphore_mem>>
      %dma_start3A = arith.constant 0 : i32
      %dma_start3A_52 = tpu.memref_slice %arg11[%add3A_11, %dma_start3A] : memref<10240x64xf32, #tpu.memory_space<vmem_shared>> -> memref<80x64xf32, #tpu.memory_space<vmem_shared>>
      %dma_start3A_53 = arith.constant 0 : i32
      %dma_start3A_54 = tpu.memref_slice %arg11[%add3A_11, %dma_start3A_53] : memref<10240x64xf32, #tpu.memory_space<vmem_shared>> -> memref<80x64xf32, #tpu.memory_space<vmem_shared>>
      tpu.enqueue_dma source(%arg10 : memref<80x64xf32, #tpu.memory_space<vmem>>) target(%dma_start3A_54 : memref<80x64xf32, #tpu.memory_space<vmem_shared>>) target_semaphore(%run_scoped3A : memref<!tpu.dma_semaphore, #tpu.memory_space<semaphore_mem>>)
      %dma_wait3A = arith.constant 0 : i32
      %dma_wait3A_55 = tpu.memref_slice %arg11[%add3A_11, %dma_wait3A] : memref<10240x64xf32, #tpu.memory_space<vmem_shared>> -> memref<80x64xf32, #tpu.memory_space<vmem_shared>>
      %dma_wait3A_56 = arith.constant 0 : i32
      %dma_wait3A_57 = tpu.memref_slice %arg11[%add3A_11, %dma_wait3A_56] : memref<10240x64xf32, #tpu.memory_space<vmem_shared>> -> memref<80x64xf32, #tpu.memory_space<vmem_shared>>
      tpu.wait_dma2 semaphore(%run_scoped3A : memref<!tpu.dma_semaphore, #tpu.memory_space<semaphore_mem>>) src(%arg10 : memref<80x64xf32, #tpu.memory_space<vmem>>) dst(%dma_wait3A_57 : memref<80x64xf32, #tpu.memory_space<vmem_shared>>)
      tpu.yield
    }) : () -> ()
    %mul3A_12 = arith.constant 640 : i32
    %mul3A_13 = arith.muli %arg1, %mul3A_12 : i32
    %add3A_14 = arith.constant 160 : i32
    %add3A_15 = arith.addi %mul3A_13, %add3A_14 : i32
    "tpu.region"() ({
      %run_scoped3A = tpu.sem_alloc : memref<!tpu.dma_semaphore, #tpu.memory_space<semaphore_mem>>
      %dma_start3A = arith.constant 0 : i32
      %dma_start3A_52 = tpu.memref_slice %arg11[%add3A_15, %dma_start3A] : memref<10240x64xf32, #tpu.memory_space<vmem_shared>> -> memref<80x64xf32, #tpu.memory_space<vmem_shared>>
      %dma_start3A_53 = arith.constant 0 : i32
      %dma_start3A_54 = tpu.memref_slice %arg11[%add3A_15, %dma_start3A_53] : memref<10240x64xf32, #tpu.memory_space<vmem_shared>> -> memref<80x64xf32, #tpu.memory_space<vmem_shared>>
      tpu.enqueue_dma source(%arg10 : memref<80x64xf32, #tpu.memory_space<vmem>>) target(%dma_start3A_54 : memref<80x64xf32, #tpu.memory_space<vmem_shared>>) target_semaphore(%run_scoped3A : memref<!tpu.dma_semaphore, #tpu.memory_space<semaphore_mem>>)
      %dma_wait3A = arith.constant 0 : i32
      %dma_wait3A_55 = tpu.memref_slice %arg11[%add3A_15, %dma_wait3A] : memref<10240x64xf32, #tpu.memory_space<vmem_shared>> -> memref<80x64xf32, #tpu.memory_space<vmem_shared>>
      %dma_wait3A_56 = arith.constant 0 : i32
      %dma_wait3A_57 = tpu.memref_slice %arg11[%add3A_15, %dma_wait3A_56] : memref<10240x64xf32, #tpu.memory_space<vmem_shared>> -> memref<80x64xf32, #tpu.memory_space<vmem_shared>>
      tpu.wait_dma2 semaphore(%run_scoped3A : memref<!tpu.dma_semaphore, #tpu.memory_space<semaphore_mem>>) src(%arg10 : memref<80x64xf32, #tpu.memory_space<vmem>>) dst(%dma_wait3A_57 : memref<80x64xf32, #tpu.memory_space<vmem_shared>>)
      tpu.yield
    }) : () -> ()
    %mul3A_16 = arith.constant 640 : i32
    %mul3A_17 = arith.muli %arg1, %mul3A_16 : i32
    %add3A_18 = arith.constant 240 : i32
    %add3A_19 = arith.addi %mul3A_17, %add3A_18 : i32
    "tpu.region"() ({
      %run_scoped3A = tpu.sem_alloc : memref<!tpu.dma_semaphore, #tpu.memory_space<semaphore_mem>>
      %dma_start3A = arith.constant 0 : i32
      %dma_start3A_52 = tpu.memref_slice %arg11[%add3A_19, %dma_start3A] : memref<10240x64xf32, #tpu.memory_space<vmem_shared>> -> memref<80x64xf32, #tpu.memory_space<vmem_shared>>
      %dma_start3A_53 = arith.constant 0 : i32
      %dma_start3A_54 = tpu.memref_slice %arg11[%add3A_19, %dma_start3A_53] : memref<10240x64xf32, #tpu.memory_space<vmem_shared>> -> memref<80x64xf32, #tpu.memory_space<vmem_shared>>
      tpu.enqueue_dma source(%arg10 : memref<80x64xf32, #tpu.memory_space<vmem>>) target(%dma_start3A_54 : memref<80x64xf32, #tpu.memory_space<vmem_shared>>) target_semaphore(%run_scoped3A : memref<!tpu.dma_semaphore, #tpu.memory_space<semaphore_mem>>)
      %dma_wait3A = arith.constant 0 : i32
      %dma_wait3A_55 = tpu.memref_slice %arg11[%add3A_19, %dma_wait3A] : memref<10240x64xf32, #tpu.memory_space<vmem_shared>> -> memref<80x64xf32, #tpu.memory_space<vmem_shared>>
      %dma_wait3A_56 = arith.constant 0 : i32
      %dma_wait3A_57 = tpu.memref_slice %arg11[%add3A_19, %dma_wait3A_56] : memref<10240x64xf32, #tpu.memory_space<vmem_shared>> -> memref<80x64xf32, #tpu.memory_space<vmem_shared>>
      tpu.wait_dma2 semaphore(%run_scoped3A : memref<!tpu.dma_semaphore, #tpu.memory_space<semaphore_mem>>) src(%arg10 : memref<80x64xf32, #tpu.memory_space<vmem>>) dst(%dma_wait3A_57 : memref<80x64xf32, #tpu.memory_space<vmem_shared>>)
      tpu.yield
    }) : () -> ()
    %mul3A_20 = arith.constant 640 : i32
    %mul3A_21 = arith.muli %arg1, %mul3A_20 : i32
    %add3A_22 = arith.constant 320 : i32
    %add3A_23 = arith.addi %mul3A_21, %add3A_22 : i32
    "tpu.region"() ({
      %run_scoped3A = tpu.sem_alloc : memref<!tpu.dma_semaphore, #tpu.memory_space<semaphore_mem>>
      %dma_start3A = arith.constant 0 : i32
      %dma_start3A_52 = tpu.memref_slice %arg11[%add3A_23, %dma_start3A] : memref<10240x64xf32, #tpu.memory_space<vmem_shared>> -> memref<80x64xf32, #tpu.memory_space<vmem_shared>>
      %dma_start3A_53 = arith.constant 0 : i32
      %dma_start3A_54 = tpu.memref_slice %arg11[%add3A_23, %dma_start3A_53] : memref<10240x64xf32, #tpu.memory_space<vmem_shared>> -> memref<80x64xf32, #tpu.memory_space<vmem_shared>>
      tpu.enqueue_dma source(%arg10 : memref<80x64xf32, #tpu.memory_space<vmem>>) target(%dma_start3A_54 : memref<80x64xf32, #tpu.memory_space<vmem_shared>>) target_semaphore(%run_scoped3A : memref<!tpu.dma_semaphore, #tpu.memory_space<semaphore_mem>>)
      %dma_wait3A = arith.constant 0 : i32
      %dma_wait3A_55 = tpu.memref_slice %arg11[%add3A_23, %dma_wait3A] : memref<10240x64xf32, #tpu.memory_space<vmem_shared>> -> memref<80x64xf32, #tpu.memory_space<vmem_shared>>
      %dma_wait3A_56 = arith.constant 0 : i32
      %dma_wait3A_57 = tpu.memref_slice %arg11[%add3A_23, %dma_wait3A_56] : memref<10240x64xf32, #tpu.memory_space<vmem_shared>> -> memref<80x64xf32, #tpu.memory_space<vmem_shared>>
      tpu.wait_dma2 semaphore(%run_scoped3A : memref<!tpu.dma_semaphore, #tpu.memory_space<semaphore_mem>>) src(%arg10 : memref<80x64xf32, #tpu.memory_space<vmem>>) dst(%dma_wait3A_57 : memref<80x64xf32, #tpu.memory_space<vmem_shared>>)
      tpu.yield
    }) : () -> ()
    %mul3A_24 = arith.constant 640 : i32
    %mul3A_25 = arith.muli %arg1, %mul3A_24 : i32
    %add3A_26 = arith.constant 400 : i32
    %add3A_27 = arith.addi %mul3A_25, %add3A_26 : i32
    "tpu.region"() ({
      %run_scoped3A = tpu.sem_alloc : memref<!tpu.dma_semaphore, #tpu.memory_space<semaphore_mem>>
      %dma_start3A = arith.constant 0 : i32
      %dma_start3A_52 = tpu.memref_slice %arg11[%add3A_27, %dma_start3A] : memref<10240x64xf32, #tpu.memory_space<vmem_shared>> -> memref<80x64xf32, #tpu.memory_space<vmem_shared>>
      %dma_start3A_53 = arith.constant 0 : i32
      %dma_start3A_54 = tpu.memref_slice %arg11[%add3A_27, %dma_start3A_53] : memref<10240x64xf32, #tpu.memory_space<vmem_shared>> -> memref<80x64xf32, #tpu.memory_space<vmem_shared>>
      tpu.enqueue_dma source(%arg10 : memref<80x64xf32, #tpu.memory_space<vmem>>) target(%dma_start3A_54 : memref<80x64xf32, #tpu.memory_space<vmem_shared>>) target_semaphore(%run_scoped3A : memref<!tpu.dma_semaphore, #tpu.memory_space<semaphore_mem>>)
      %dma_wait3A = arith.constant 0 : i32
      %dma_wait3A_55 = tpu.memref_slice %arg11[%add3A_27, %dma_wait3A] : memref<10240x64xf32, #tpu.memory_space<vmem_shared>> -> memref<80x64xf32, #tpu.memory_space<vmem_shared>>
      %dma_wait3A_56 = arith.constant 0 : i32
      %dma_wait3A_57 = tpu.memref_slice %arg11[%add3A_27, %dma_wait3A_56] : memref<10240x64xf32, #tpu.memory_space<vmem_shared>> -> memref<80x64xf32, #tpu.memory_space<vmem_shared>>
      tpu.wait_dma2 semaphore(%run_scoped3A : memref<!tpu.dma_semaphore, #tpu.memory_space<semaphore_mem>>) src(%arg10 : memref<80x64xf32, #tpu.memory_space<vmem>>) dst(%dma_wait3A_57 : memref<80x64xf32, #tpu.memory_space<vmem_shared>>)
      tpu.yield
    }) : () -> ()
    %mul3A_28 = arith.constant 640 : i32
    %mul3A_29 = arith.muli %arg1, %mul3A_28 : i32
    %add3A_30 = arith.constant 480 : i32
    %add3A_31 = arith.addi %mul3A_29, %add3A_30 : i32
    "tpu.region"() ({
      %run_scoped3A = tpu.sem_alloc : memref<!tpu.dma_semaphore, #tpu.memory_space<semaphore_mem>>
      %dma_start3A = arith.constant 0 : i32
      %dma_start3A_52 = tpu.memref_slice %arg11[%add3A_31, %dma_start3A] : memref<10240x64xf32, #tpu.memory_space<vmem_shared>> -> memref<80x64xf32, #tpu.memory_space<vmem_shared>>
      %dma_start3A_53 = arith.constant 0 : i32
      %dma_start3A_54 = tpu.memref_slice %arg11[%add3A_31, %dma_start3A_53] : memref<10240x64xf32, #tpu.memory_space<vmem_shared>> -> memref<80x64xf32, #tpu.memory_space<vmem_shared>>
      tpu.enqueue_dma source(%arg10 : memref<80x64xf32, #tpu.memory_space<vmem>>) target(%dma_start3A_54 : memref<80x64xf32, #tpu.memory_space<vmem_shared>>) target_semaphore(%run_scoped3A : memref<!tpu.dma_semaphore, #tpu.memory_space<semaphore_mem>>)
      %dma_wait3A = arith.constant 0 : i32
      %dma_wait3A_55 = tpu.memref_slice %arg11[%add3A_31, %dma_wait3A] : memref<10240x64xf32, #tpu.memory_space<vmem_shared>> -> memref<80x64xf32, #tpu.memory_space<vmem_shared>>
      %dma_wait3A_56 = arith.constant 0 : i32
      %dma_wait3A_57 = tpu.memref_slice %arg11[%add3A_31, %dma_wait3A_56] : memref<10240x64xf32, #tpu.memory_space<vmem_shared>> -> memref<80x64xf32, #tpu.memory_space<vmem_shared>>
      tpu.wait_dma2 semaphore(%run_scoped3A : memref<!tpu.dma_semaphore, #tpu.memory_space<semaphore_mem>>) src(%arg10 : memref<80x64xf32, #tpu.memory_space<vmem>>) dst(%dma_wait3A_57 : memref<80x64xf32, #tpu.memory_space<vmem_shared>>)
      tpu.yield
    }) : () -> ()
    %mul3A_32 = arith.constant 640 : i32
    %mul3A_33 = arith.muli %arg1, %mul3A_32 : i32
    %add3A_34 = arith.constant 560 : i32
    %add3A_35 = arith.addi %mul3A_33, %add3A_34 : i32
    "tpu.region"() ({
      %run_scoped3A = tpu.sem_alloc : memref<!tpu.dma_semaphore, #tpu.memory_space<semaphore_mem>>
      %dma_start3A = arith.constant 0 : i32
      %dma_start3A_52 = tpu.memref_slice %arg11[%add3A_35, %dma_start3A] : memref<10240x64xf32, #tpu.memory_space<vmem_shared>> -> memref<80x64xf32, #tpu.memory_space<vmem_shared>>
      %dma_start3A_53 = arith.constant 0 : i32
      %dma_start3A_54 = tpu.memref_slice %arg11[%add3A_35, %dma_start3A_53] : memref<10240x64xf32, #tpu.memory_space<vmem_shared>> -> memref<80x64xf32, #tpu.memory_space<vmem_shared>>
      tpu.enqueue_dma source(%arg10 : memref<80x64xf32, #tpu.memory_space<vmem>>) target(%dma_start3A_54 : memref<80x64xf32, #tpu.memory_space<vmem_shared>>) target_semaphore(%run_scoped3A : memref<!tpu.dma_semaphore, #tpu.memory_space<semaphore_mem>>)
      %dma_wait3A = arith.constant 0 : i32
      %dma_wait3A_55 = tpu.memref_slice %arg11[%add3A_35, %dma_wait3A] : memref<10240x64xf32, #tpu.memory_space<vmem_shared>> -> memref<80x64xf32, #tpu.memory_space<vmem_shared>>
      %dma_wait3A_56 = arith.constant 0 : i32
      %dma_wait3A_57 = tpu.memref_slice %arg11[%add3A_35, %dma_wait3A_56] : memref<10240x64xf32, #tpu.memory_space<vmem_shared>> -> memref<80x64xf32, #tpu.memory_space<vmem_shared>>
      tpu.wait_dma2 semaphore(%run_scoped3A : memref<!tpu.dma_semaphore, #tpu.memory_space<semaphore_mem>>) src(%arg10 : memref<80x64xf32, #tpu.memory_space<vmem>>) dst(%dma_wait3A_57 : memref<80x64xf32, #tpu.memory_space<vmem_shared>>)
      tpu.yield
    }) : () -> ()
    %mul3A_36 = arith.constant 640 : i32
    %mul3A_37 = arith.muli %arg1, %mul3A_36 : i32
    %mul3A_38 = arith.constant 640 : i32
    %mul3A_39 = arith.muli %arg1, %mul3A_38 : i32
    "tpu.region"() ({
      %run_scoped3A = tpu.sem_alloc : memref<!tpu.dma_semaphore, #tpu.memory_space<semaphore_mem>>
      %dma_start3A = arith.constant 0 : i32
      %dma_start3A_52 = tpu.memref_slice %arg12[%mul3A_39, %dma_start3A] : memref<10240x64xf32, #tpu.memory_space<vmem_shared>> -> memref<640x64xf32, #tpu.memory_space<vmem_shared>>
      %dma_start3A_53 = arith.constant 0 : i32
      %dma_start3A_54 = tpu.memref_slice %arg2[%mul3A_37, %dma_start3A_53] : memref<10240x64xf32, #tpu.memory_space<hbm>> -> memref<640x64xf32, #tpu.memory_space<hbm>>
      tpu.enqueue_dma source(%dma_start3A_54 : memref<640x64xf32, #tpu.memory_space<hbm>>) target(%dma_start3A_52 : memref<640x64xf32, #tpu.memory_space<vmem_shared>>) target_semaphore(%run_scoped3A : memref<!tpu.dma_semaphore, #tpu.memory_space<semaphore_mem>>)
      %dma_wait3A = arith.constant 0 : i32
      %dma_wait3A_55 = tpu.memref_slice %arg12[%mul3A_39, %dma_wait3A] : memref<10240x64xf32, #tpu.memory_space<vmem_shared>> -> memref<640x64xf32, #tpu.memory_space<vmem_shared>>
      %dma_wait3A_56 = arith.constant 0 : i32
      %dma_wait3A_57 = tpu.memref_slice %arg2[%mul3A_37, %dma_wait3A_56] : memref<10240x64xf32, #tpu.memory_space<hbm>> -> memref<640x64xf32, #tpu.memory_space<hbm>>
      tpu.wait_dma2 semaphore(%run_scoped3A : memref<!tpu.dma_semaphore, #tpu.memory_space<semaphore_mem>>) src(%dma_wait3A_57 : memref<640x64xf32, #tpu.memory_space<hbm>>) dst(%dma_wait3A_55 : memref<640x64xf32, #tpu.memory_space<vmem_shared>>)
      tpu.yield
    }) : () -> ()
    "tpu.region"() ({
      %run_scoped3A = tpu.sem_alloc : memref<!tpu.dma_semaphore, #tpu.memory_space<semaphore_mem>>
      %dma_start3A = arith.constant 0 : i32
      %dma_start3A_52 = arith.constant 0 : i32
      %dma_start3A_53 = tpu.memref_slice %arg3[%arg0, %arg1, %dma_start3A, %dma_start3A_52] : memref<2x16x80x128xi32, #tpu.memory_space<hbm>> -> memref<1x1x80x128xi32, #tpu.memory_space<hbm>>
      %dma_start3A_54 = tpu.memref_squeeze %dma_start3A_53 : memref<1x1x80x128xi32, #tpu.memory_space<hbm>> -> memref<80x128xi32, #tpu.memory_space<hbm>>
      %dma_start3A_55 = arith.constant 0 : i32
      %dma_start3A_56 = arith.constant 0 : i32
      %dma_start3A_57 = tpu.memref_slice %arg3[%arg0, %arg1, %dma_start3A_55, %dma_start3A_56] : memref<2x16x80x128xi32, #tpu.memory_space<hbm>> -> memref<1x1x80x128xi32, #tpu.memory_space<hbm>>
      %dma_start3A_58 = tpu.memref_squeeze %dma_start3A_57 : memref<1x1x80x128xi32, #tpu.memory_space<hbm>> -> memref<80x128xi32, #tpu.memory_space<hbm>>
      tpu.enqueue_dma source(%dma_start3A_58 : memref<80x128xi32, #tpu.memory_space<hbm>>) target(%arg6 : memref<80x128xi32, #tpu.memory_space<vmem>>) target_semaphore(%run_scoped3A : memref<!tpu.dma_semaphore, #tpu.memory_space<semaphore_mem>>)
      %dma_wait3A = arith.constant 0 : i32
      %dma_wait3A_59 = arith.constant 0 : i32
      %dma_wait3A_60 = tpu.memref_slice %arg3[%arg0, %arg1, %dma_wait3A, %dma_wait3A_59] : memref<2x16x80x128xi32, #tpu.memory_space<hbm>> -> memref<1x1x80x128xi32, #tpu.memory_space<hbm>>
      %dma_wait3A_61 = tpu.memref_squeeze %dma_wait3A_60 : memref<1x1x80x128xi32, #tpu.memory_space<hbm>> -> memref<80x128xi32, #tpu.memory_space<hbm>>
      %dma_wait3A_62 = arith.constant 0 : i32
      %dma_wait3A_63 = arith.constant 0 : i32
      %dma_wait3A_64 = tpu.memref_slice %arg3[%arg0, %arg1, %dma_wait3A_62, %dma_wait3A_63] : memref<2x16x80x128xi32, #tpu.memory_space<hbm>> -> memref<1x1x80x128xi32, #tpu.memory_space<hbm>>
      %dma_wait3A_65 = tpu.memref_squeeze %dma_wait3A_64 : memref<1x1x80x128xi32, #tpu.memory_space<hbm>> -> memref<80x128xi32, #tpu.memory_space<hbm>>
      tpu.wait_dma2 semaphore(%run_scoped3A : memref<!tpu.dma_semaphore, #tpu.memory_space<semaphore_mem>>) src(%dma_wait3A_65 : memref<80x128xi32, #tpu.memory_space<hbm>>) dst(%arg6 : memref<80x128xi32, #tpu.memory_space<vmem>>)
      tpu.yield
    }) : () -> ()
    "tpu.region"() ({
      %run_scoped3A = tpu.sem_alloc : memref<!tpu.dma_semaphore, #tpu.memory_space<semaphore_mem>>
      %dma_start3A = arith.constant 0 : i32
      %dma_start3A_52 = arith.constant 0 : i32
      %dma_start3A_53 = tpu.memref_slice %arg4[%arg0, %arg1, %dma_start3A, %dma_start3A_52] : memref<2x16x80x128xi32, #tpu.memory_space<hbm>> -> memref<1x1x80x128xi32, #tpu.memory_space<hbm>>
      %dma_start3A_54 = tpu.memref_squeeze %dma_start3A_53 : memref<1x1x80x128xi32, #tpu.memory_space<hbm>> -> memref<80x128xi32, #tpu.memory_space<hbm>>
      %dma_start3A_55 = arith.constant 0 : i32
      %dma_start3A_56 = arith.constant 0 : i32
      %dma_start3A_57 = tpu.memref_slice %arg4[%arg0, %arg1, %dma_start3A_55, %dma_start3A_56] : memref<2x16x80x128xi32, #tpu.memory_space<hbm>> -> memref<1x1x80x128xi32, #tpu.memory_space<hbm>>
      %dma_start3A_58 = tpu.memref_squeeze %dma_start3A_57 : memref<1x1x80x128xi32, #tpu.memory_space<hbm>> -> memref<80x128xi32, #tpu.memory_space<hbm>>
      tpu.enqueue_dma source(%dma_start3A_58 : memref<80x128xi32, #tpu.memory_space<hbm>>) target(%arg7 : memref<80x128xi32, #tpu.memory_space<vmem>>) target_semaphore(%run_scoped3A : memref<!tpu.dma_semaphore, #tpu.memory_space<semaphore_mem>>)
      %dma_wait3A = arith.constant 0 : i32
      %dma_wait3A_59 = arith.constant 0 : i32
      %dma_wait3A_60 = tpu.memref_slice %arg4[%arg0, %arg1, %dma_wait3A, %dma_wait3A_59] : memref<2x16x80x128xi32, #tpu.memory_space<hbm>> -> memref<1x1x80x128xi32, #tpu.memory_space<hbm>>
      %dma_wait3A_61 = tpu.memref_squeeze %dma_wait3A_60 : memref<1x1x80x128xi32, #tpu.memory_space<hbm>> -> memref<80x128xi32, #tpu.memory_space<hbm>>
      %dma_wait3A_62 = arith.constant 0 : i32
      %dma_wait3A_63 = arith.constant 0 : i32
      %dma_wait3A_64 = tpu.memref_slice %arg4[%arg0, %arg1, %dma_wait3A_62, %dma_wait3A_63] : memref<2x16x80x128xi32, #tpu.memory_space<hbm>> -> memref<1x1x80x128xi32, #tpu.memory_space<hbm>>
      %dma_wait3A_65 = tpu.memref_squeeze %dma_wait3A_64 : memref<1x1x80x128xi32, #tpu.memory_space<hbm>> -> memref<80x128xi32, #tpu.memory_space<hbm>>
      tpu.wait_dma2 semaphore(%run_scoped3A : memref<!tpu.dma_semaphore, #tpu.memory_space<semaphore_mem>>) src(%dma_wait3A_65 : memref<80x128xi32, #tpu.memory_space<hbm>>) dst(%arg7 : memref<80x128xi32, #tpu.memory_space<vmem>>)
      tpu.yield
    }) : () -> ()
    %barrier3A = arith.constant 0 : index
    tpu.barrier barrier_id(%barrier3A)
    %scan3A_40 = arith.constant 0 : i32
    %scan3A_41 = arith.constant 0 : i32
    %scan3A_42 = arith.constant 40 : i32
    %scan3A_43 = arith.addi %scan3A_41, %scan3A_42 : i32
    %scan3A_44 = arith.constant 1 : i32
    %scan3A_45 = scf.for %scan3A_52 = %scan3A_41 to %scan3A_43 step %scan3A_44 iter_args(%scan3A_53 = %scan3A_40) -> (i32)  : i32 {
      %mul3A_54 = arith.constant 2 : i32
      %mul3A_55 = arith.muli %scan3A_52, %mul3A_54 : i32
      %dma_start3A = arith.constant 0 : i32
      %dma_start3A_56 = tpu.memref_slice %arg6[%mul3A_55, %dma_start3A] : memref<80x128xi32, #tpu.memory_space<vmem>> -> memref<1x128xi32, #tpu.memory_space<vmem>>
      %dma_start3A_57 = tpu.memref_squeeze %dma_start3A_56 : memref<1x128xi32, #tpu.memory_space<vmem>> -> memref<128xi32, #tpu.memory_space<vmem>>
      %dma_start3A_58 = arith.constant 0 : i32
      %dma_start3A_59 = arith.constant 0 : i32
      %dma_start3A_60 = tpu.memref_slice %arg12[%dma_start3A_58, %dma_start3A_59] : memref<10240x64xf32, #tpu.memory_space<vmem_shared>> -> memref<10240x64xf32, #tpu.memory_space<vmem_shared>>
      tpu.enqueue_indirect_dma source(%dma_start3A_60 : memref<10240x64xf32, #tpu.memory_space<vmem_shared>>) target(%arg8 : memref<128x64xf32, #tpu.memory_space<vmem>>) offsets(%dma_start3A_57 : memref<128xi32, #tpu.memory_space<vmem>>) semaphore(%arg13 : memref<!tpu.dma_semaphore, #tpu.memory_space<semaphore_mem>>)
      %add3A_61 = arith.constant 1 : i32
      %add3A_62 = arith.addi %mul3A_55, %add3A_61 : i32
      %dma_start3A_63 = arith.constant 0 : i32
      %dma_start3A_64 = tpu.memref_slice %arg6[%add3A_62, %dma_start3A_63] : memref<80x128xi32, #tpu.memory_space<vmem>> -> memref<1x128xi32, #tpu.memory_space<vmem>>
      %dma_start3A_65 = tpu.memref_squeeze %dma_start3A_64 : memref<1x128xi32, #tpu.memory_space<vmem>> -> memref<128xi32, #tpu.memory_space<vmem>>
      %dma_start3A_66 = arith.constant 0 : i32
      %dma_start3A_67 = arith.constant 0 : i32
      %dma_start3A_68 = tpu.memref_slice %arg12[%dma_start3A_66, %dma_start3A_67] : memref<10240x64xf32, #tpu.memory_space<vmem_shared>> -> memref<10240x64xf32, #tpu.memory_space<vmem_shared>>
      tpu.enqueue_indirect_dma source(%dma_start3A_68 : memref<10240x64xf32, #tpu.memory_space<vmem_shared>>) target(%arg9 : memref<128x64xf32, #tpu.memory_space<vmem>>) offsets(%dma_start3A_65 : memref<128xi32, #tpu.memory_space<vmem>>) semaphore(%arg14 : memref<!tpu.dma_semaphore, #tpu.memory_space<semaphore_mem>>)
      %dma_wait3A = arith.constant 0 : i32
      %dma_wait3A_69 = tpu.memref_slice %arg6[%mul3A_55, %dma_wait3A] : memref<80x128xi32, #tpu.memory_space<vmem>> -> memref<1x128xi32, #tpu.memory_space<vmem>>
      %dma_wait3A_70 = tpu.memref_squeeze %dma_wait3A_69 : memref<1x128xi32, #tpu.memory_space<vmem>> -> memref<128xi32, #tpu.memory_space<vmem>>
      %dma_wait3A_71 = arith.constant 0 : i32
      %dma_wait3A_72 = arith.constant 0 : i32
      %dma_wait3A_73 = tpu.memref_slice %arg12[%dma_wait3A_71, %dma_wait3A_72] : memref<10240x64xf32, #tpu.memory_space<vmem_shared>> -> memref<10240x64xf32, #tpu.memory_space<vmem_shared>>
      tpu.wait_indirect_dma semaphore(%arg13 : memref<!tpu.dma_semaphore, #tpu.memory_space<semaphore_mem>>) src(%dma_wait3A_73 : memref<10240x64xf32, #tpu.memory_space<vmem_shared>>) dst(%arg8 : memref<128x64xf32, #tpu.memory_space<vmem>>)
      %dma_start3A_74 = arith.constant 0 : i32
      %dma_start3A_75 = tpu.memref_slice %arg7[%mul3A_55, %dma_start3A_74] : memref<80x128xi32, #tpu.memory_space<vmem>> -> memref<1x128xi32, #tpu.memory_space<vmem>>
      %dma_start3A_76 = tpu.memref_squeeze %dma_start3A_75 : memref<1x128xi32, #tpu.memory_space<vmem>> -> memref<128xi32, #tpu.memory_space<vmem>>
      %dma_start3A_77 = arith.constant 0 : i32
      %dma_start3A_78 = arith.constant 0 : i32
      %dma_start3A_79 = tpu.memref_slice %arg11[%dma_start3A_77, %dma_start3A_78] : memref<10240x64xf32, #tpu.memory_space<vmem_shared>> -> memref<10240x64xf32, #tpu.memory_space<vmem_shared>>
      tpu.enqueue_indirect_dma source(%arg8 : memref<128x64xf32, #tpu.memory_space<vmem>>) target(%dma_start3A_79 : memref<10240x64xf32, #tpu.memory_space<vmem_shared>>) offsets(%dma_start3A_76 : memref<128xi32, #tpu.memory_space<vmem>>) semaphore(%arg15 : memref<!tpu.dma_semaphore, #tpu.memory_space<semaphore_mem>>) {add = true}
      %dma_wait3A_80 = arith.constant 0 : i32
      %dma_wait3A_81 = tpu.memref_slice %arg6[%add3A_62, %dma_wait3A_80] : memref<80x128xi32, #tpu.memory_space<vmem>> -> memref<1x128xi32, #tpu.memory_space<vmem>>
      %dma_wait3A_82 = tpu.memref_squeeze %dma_wait3A_81 : memref<1x128xi32, #tpu.memory_space<vmem>> -> memref<128xi32, #tpu.memory_space<vmem>>
      %dma_wait3A_83 = arith.constant 0 : i32
      %dma_wait3A_84 = arith.constant 0 : i32
      %dma_wait3A_85 = tpu.memref_slice %arg12[%dma_wait3A_83, %dma_wait3A_84] : memref<10240x64xf32, #tpu.memory_space<vmem_shared>> -> memref<10240x64xf32, #tpu.memory_space<vmem_shared>>
      tpu.wait_indirect_dma semaphore(%arg14 : memref<!tpu.dma_semaphore, #tpu.memory_space<semaphore_mem>>) src(%dma_wait3A_85 : memref<10240x64xf32, #tpu.memory_space<vmem_shared>>) dst(%arg9 : memref<128x64xf32, #tpu.memory_space<vmem>>)
      %add3A_86 = arith.constant 1 : i32
      %add3A_87 = arith.addi %mul3A_55, %add3A_86 : i32
      %dma_start3A_88 = arith.constant 0 : i32
      %dma_start3A_89 = tpu.memref_slice %arg7[%add3A_87, %dma_start3A_88] : memref<80x128xi32, #tpu.memory_space<vmem>> -> memref<1x128xi32, #tpu.memory_space<vmem>>
      %dma_start3A_90 = tpu.memref_squeeze %dma_start3A_89 : memref<1x128xi32, #tpu.memory_space<vmem>> -> memref<128xi32, #tpu.memory_space<vmem>>
      %dma_start3A_91 = arith.constant 0 : i32
      %dma_start3A_92 = arith.constant 0 : i32
      %dma_start3A_93 = tpu.memref_slice %arg11[%dma_start3A_91, %dma_start3A_92] : memref<10240x64xf32, #tpu.memory_space<vmem_shared>> -> memref<10240x64xf32, #tpu.memory_space<vmem_shared>>
      tpu.enqueue_indirect_dma source(%arg9 : memref<128x64xf32, #tpu.memory_space<vmem>>) target(%dma_start3A_93 : memref<10240x64xf32, #tpu.memory_space<vmem_shared>>) offsets(%dma_start3A_90 : memref<128xi32, #tpu.memory_space<vmem>>) semaphore(%arg16 : memref<!tpu.dma_semaphore, #tpu.memory_space<semaphore_mem>>) {add = true}
      %dma_wait3A_94 = arith.constant 0 : i32
      %dma_wait3A_95 = tpu.memref_slice %arg7[%mul3A_55, %dma_wait3A_94] : memref<80x128xi32, #tpu.memory_space<vmem>> -> memref<1x128xi32, #tpu.memory_space<vmem>>
      %dma_wait3A_96 = tpu.memref_squeeze %dma_wait3A_95 : memref<1x128xi32, #tpu.memory_space<vmem>> -> memref<128xi32, #tpu.memory_space<vmem>>
      %dma_wait3A_97 = arith.constant 0 : i32
      %dma_wait3A_98 = arith.constant 0 : i32
      %dma_wait3A_99 = tpu.memref_slice %arg11[%dma_wait3A_97, %dma_wait3A_98] : memref<10240x64xf32, #tpu.memory_space<vmem_shared>> -> memref<10240x64xf32, #tpu.memory_space<vmem_shared>>
      tpu.wait_indirect_dma semaphore(%arg15 : memref<!tpu.dma_semaphore, #tpu.memory_space<semaphore_mem>>) src(%arg8 : memref<128x64xf32, #tpu.memory_space<vmem>>) dst(%dma_wait3A_99 : memref<10240x64xf32, #tpu.memory_space<vmem_shared>>)
      %dma_wait3A_100 = arith.constant 0 : i32
      %dma_wait3A_101 = tpu.memref_slice %arg7[%add3A_87, %dma_wait3A_100] : memref<80x128xi32, #tpu.memory_space<vmem>> -> memref<1x128xi32, #tpu.memory_space<vmem>>
      %dma_wait3A_102 = tpu.memref_squeeze %dma_wait3A_101 : memref<1x128xi32, #tpu.memory_space<vmem>> -> memref<128xi32, #tpu.memory_space<vmem>>
      %dma_wait3A_103 = arith.constant 0 : i32
      %dma_wait3A_104 = arith.constant 0 : i32
      %dma_wait3A_105 = tpu.memref_slice %arg11[%dma_wait3A_103, %dma_wait3A_104] : memref<10240x64xf32, #tpu.memory_space<vmem_shared>> -> memref<10240x64xf32, #tpu.memory_space<vmem_shared>>
      tpu.wait_indirect_dma semaphore(%arg16 : memref<!tpu.dma_semaphore, #tpu.memory_space<semaphore_mem>>) src(%arg9 : memref<128x64xf32, #tpu.memory_space<vmem>>) dst(%dma_wait3A_105 : memref<10240x64xf32, #tpu.memory_space<vmem_shared>>)
      %scan3A_106 = arith.constant 0 : i32
      scf.yield %scan3A_106 : i32
    }
    %scan3A_46 = arith.constant 40 : i32
    %barrier3A_47 = arith.constant 0 : index
    tpu.barrier barrier_id(%barrier3A_47)
    %mul3A_48 = arith.constant 640 : i32
    %mul3A_49 = arith.muli %arg1, %mul3A_48 : i32
    %mul3A_50 = arith.constant 640 : i32
    %mul3A_51 = arith.muli %arg1, %mul3A_50 : i32
    "tpu.region"() ({
      %run_scoped3A = tpu.sem_alloc : memref<!tpu.dma_semaphore, #tpu.memory_space<semaphore_mem>>
      %dma_start3A = arith.constant 0 : i32
      %dma_start3A_52 = tpu.memref_slice %arg5[%arg0, %mul3A_51, %dma_start3A] : memref<2x10240x64xf32, #tpu.memory_space<hbm>> -> memref<1x640x64xf32, #tpu.memory_space<hbm>>
      %dma_start3A_53 = tpu.memref_squeeze %dma_start3A_52 : memref<1x640x64xf32, #tpu.memory_space<hbm>> -> memref<640x64xf32, #tpu.memory_space<hbm>>
      %dma_start3A_54 = arith.constant 0 : i32
      %dma_start3A_55 = tpu.memref_slice %arg11[%mul3A_49, %dma_start3A_54] : memref<10240x64xf32, #tpu.memory_space<vmem_shared>> -> memref<640x64xf32, #tpu.memory_space<vmem_shared>>
      tpu.enqueue_dma source(%dma_start3A_55 : memref<640x64xf32, #tpu.memory_space<vmem_shared>>) target(%dma_start3A_53 : memref<640x64xf32, #tpu.memory_space<hbm>>) target_semaphore(%run_scoped3A : memref<!tpu.dma_semaphore, #tpu.memory_space<semaphore_mem>>)
      %dma_wait3A = arith.constant 0 : i32
      %dma_wait3A_56 = tpu.memref_slice %arg5[%arg0, %mul3A_51, %dma_wait3A] : memref<2x10240x64xf32, #tpu.memory_space<hbm>> -> memref<1x640x64xf32, #tpu.memory_space<hbm>>
      %dma_wait3A_57 = tpu.memref_squeeze %dma_wait3A_56 : memref<1x640x64xf32, #tpu.memory_space<hbm>> -> memref<640x64xf32, #tpu.memory_space<hbm>>
      %dma_wait3A_58 = arith.constant 0 : i32
      %dma_wait3A_59 = tpu.memref_slice %arg11[%mul3A_49, %dma_wait3A_58] : memref<10240x64xf32, #tpu.memory_space<vmem_shared>> -> memref<640x64xf32, #tpu.memory_space<vmem_shared>>
      tpu.wait_dma2 semaphore(%run_scoped3A : memref<!tpu.dma_semaphore, #tpu.memory_space<semaphore_mem>>) src(%dma_wait3A_59 : memref<640x64xf32, #tpu.memory_space<vmem_shared>>) dst(%dma_wait3A_57 : memref<640x64xf32, #tpu.memory_space<hbm>>)
      tpu.yield
    }) : () -> ()
    return
  }
}

module attributes {stable_mosaic.version = 14 : i64} {
  func.func @_prep_body(%arg0: i32, %arg1: memref<2x1024x16xf32, #tpu.memory_space<vmem>>, %arg2: memref<1024x128xf32, #tpu.memory_space<vmem>>, %arg3: memref<128x64xf32, #tpu.memory_space<vmem>>, %arg4: memref<1024x64xf32, #tpu.memory_space<vmem>>, %arg5: memref<1024x1xf32, #tpu.memory_space<vmem>>) attributes {dimension_semantics = [#tpu.dimension_semantics<arbitrary>], iteration_bounds = array<i64: 10>, scalar_prefetch = 0 : i64, scratch_operands = 0 : i64, tpu.core_type = #tpu.core_type<tc>, window_params = [{transform_indices = @transform_0, window_bounds = array<i64: 2, 1024, 16>}, {transform_indices = @transform_1, window_bounds = array<i64: 1024, 128>}, {pipeline_mode = #tpu.pipeline_mode<synchronous>, transform_indices = @transform_2, window_bounds = array<i64: 128, 64>}, {transform_indices = @transform_3, window_bounds = array<i64: 1024, 64>}, {transform_indices = @transform_4, window_bounds = array<i64: 1024, 1>}]} {
    %get3A = arith.constant 0 : index
    %get3A_0 = arith.constant 0 : index
    %get3A_1 = arith.constant 0 : index
    %get3A_2 = vector.load %arg1[%get3A, %get3A_0, %get3A_1] : memref<2x1024x16xf32, #tpu.memory_space<vmem>>, vector<1x1024x16xf32>
    %get3A_3 = vector.shape_cast %get3A_2 : vector<1x1024x16xf32> to vector<1024x16xf32>
    %slice3A = vector.extract_strided_slice %get3A_3 {offsets = [0, 0], sizes = [1024, 1], strides = [1, 1]} : vector<1024x16xf32> to vector<1024x1xf32>
    %get3A_4 = arith.constant 1 : index
    %get3A_5 = arith.constant 0 : index
    %get3A_6 = arith.constant 0 : index
    %get3A_7 = vector.load %arg1[%get3A_4, %get3A_5, %get3A_6] : memref<2x1024x16xf32, #tpu.memory_space<vmem>>, vector<1x1024x16xf32>
    %get3A_8 = vector.shape_cast %get3A_7 : vector<1x1024x16xf32> to vector<1024x16xf32>
    %slice3A_9 = vector.extract_strided_slice %get3A_8 {offsets = [0, 0], sizes = [1024, 1], strides = [1, 1]} : vector<1024x16xf32> to vector<1024x1xf32>
    %add3A = arith.addf %slice3A, %slice3A_9 : vector<1024x1xf32>
    %add3A_10 = arith.constant 1.000000e+00 : f32
    %add3A_11 = vector.broadcast %add3A_10 : f32 to vector<1024x1xf32>
    %add3A_12 = arith.addf %add3A, %add3A_11 : vector<1024x1xf32>
    %max3A = arith.constant 1.000000e+00 : f32
    %max3A_13 = vector.broadcast %max3A : f32 to vector<1024x1xf32>
    %max3A_14 = arith.maximumf %add3A_12, %max3A_13 : vector<1024x1xf32>
    %rsqrt3A = math.rsqrt %max3A_14 : vector<1024x1xf32>
    %swap3A = arith.constant 0 : index
    %swap3A_15 = arith.constant 0 : index
    %swap3A_16 = vector.load %arg5[%swap3A, %swap3A_15] : memref<1024x1xf32, #tpu.memory_space<vmem>>, vector<1024x1xf32>
    tpu.vector_store %arg5[%swap3A, %swap3A_15], %rsqrt3A {strides = array<i32>} : memref<1024x1xf32, #tpu.memory_space<vmem>>, vector<1024x1xf32>,
    %get3A_17 = arith.constant 0 : index
    %get3A_18 = arith.constant 0 : index
    %get3A_19 = vector.load %arg2[%get3A_17, %get3A_18] : memref<1024x128xf32, #tpu.memory_space<vmem>>, vector<1024x128xf32>
    %get3A_20 = arith.constant 0 : index
    %get3A_21 = arith.constant 0 : index
    %get3A_22 = vector.load %arg3[%get3A_20, %get3A_21] : memref<128x64xf32, #tpu.memory_space<vmem>>, vector<128x64xf32>
    %dot_general3A = arith.constant dense<0.000000e+00> : vector<1024x64xf32>
    %dot_general3A_23 = tpu.matmul %get3A_19, %get3A_22, %dot_general3A {dimension_numbers = #tpu.dot_dimension_numbers<[1], [0], [0], [1], [0, 0, 1, 1], [], []>, transpose_lhs_hint = false} : vector<1024x128xf32>, vector<128x64xf32>, vector<1024x64xf32> -> vector<1024x64xf32>
    %mul3A = vector.broadcast %rsqrt3A : vector<1024x1xf32> to vector<1024x64xf32>
    %mul3A_24 = arith.mulf %dot_general3A_23, %mul3A : vector<1024x64xf32>
    %swap3A_25 = arith.constant 0 : index
    %swap3A_26 = arith.constant 0 : index
    %swap3A_27 = vector.load %arg4[%swap3A_25, %swap3A_26] : memref<1024x64xf32, #tpu.memory_space<vmem>>, vector<1024x64xf32>
    tpu.vector_store %arg4[%swap3A_25, %swap3A_26], %mul3A_24 {strides = array<i32>} : memref<1024x64xf32, #tpu.memory_space<vmem>>, vector<1024x64xf32>,
    return
  }
  func.func @transform_0(%arg0: i32) -> (i32, i32, i32) {
    %c0_i32 = arith.constant 0 : i32
    %c0_i32_0 = arith.constant 0 : i32
    %c0_i32_1 = arith.constant 0 : i32
    return %c0_i32, %arg0, %c0_i32_0 : i32, i32, i32
  }
  func.func @transform_1(%arg0: i32) -> (i32, i32) {
    %c0_i32 = arith.constant 0 : i32
    %c0_i32_0 = arith.constant 0 : i32
    return %arg0, %c0_i32 : i32, i32
  }
  func.func @transform_2(%arg0: i32) -> (i32, i32) {
    %c0_i32 = arith.constant 0 : i32
    %c0_i32_0 = arith.constant 0 : i32
    %c0_i32_1 = arith.constant 0 : i32
    return %c0_i32, %c0_i32_0 : i32, i32
  }
  func.func @transform_3(%arg0: i32) -> (i32, i32) {
    %c0_i32 = arith.constant 0 : i32
    %c0_i32_0 = arith.constant 0 : i32
    return %arg0, %c0_i32 : i32, i32
  }
  func.func @transform_4(%arg0: i32) -> (i32, i32) {
    %c0_i32 = arith.constant 0 : i32
    %c0_i32_0 = arith.constant 0 : i32
    return %arg0, %c0_i32 : i32, i32
  }
}

module attributes {stable_mosaic.version = 14 : i64} {
  func.func @_mid_body(%arg0: i32, %arg1: memref<2x1024x64xf32, #tpu.memory_space<vmem>>, %arg2: memref<1024x64xf32, #tpu.memory_space<vmem>>, %arg3: memref<1024x1xf32, #tpu.memory_space<vmem>>, %arg4: memref<1x64xf32, #tpu.memory_space<vmem>>, %arg5: memref<64x64xf32, #tpu.memory_space<vmem>>, %arg6: memref<1024x64xf32, #tpu.memory_space<vmem>>) attributes {dimension_semantics = [#tpu.dimension_semantics<arbitrary>], iteration_bounds = array<i64: 10>, scalar_prefetch = 0 : i64, scratch_operands = 0 : i64, tpu.core_type = #tpu.core_type<tc>, window_params = [{transform_indices = @transform_0, window_bounds = array<i64: 2, 1024, 64>}, {transform_indices = @transform_1, window_bounds = array<i64: 1024, 64>}, {transform_indices = @transform_2, window_bounds = array<i64: 1024, 1>}, {pipeline_mode = #tpu.pipeline_mode<synchronous>, transform_indices = @transform_3, window_bounds = array<i64: 1, 64>}, {pipeline_mode = #tpu.pipeline_mode<synchronous>, transform_indices = @transform_4, window_bounds = array<i64: 64, 64>}, {transform_indices = @transform_5, window_bounds = array<i64: 1024, 64>}]} {
    %get3A = arith.constant 0 : index
    %get3A_0 = arith.constant 0 : index
    %get3A_1 = arith.constant 0 : index
    %get3A_2 = vector.load %arg1[%get3A, %get3A_0, %get3A_1] : memref<2x1024x64xf32, #tpu.memory_space<vmem>>, vector<1x1024x64xf32>
    %get3A_3 = vector.shape_cast %get3A_2 : vector<1x1024x64xf32> to vector<1024x64xf32>
    %get3A_4 = arith.constant 1 : index
    %get3A_5 = arith.constant 0 : index
    %get3A_6 = arith.constant 0 : index
    %get3A_7 = vector.load %arg1[%get3A_4, %get3A_5, %get3A_6] : memref<2x1024x64xf32, #tpu.memory_space<vmem>>, vector<1x1024x64xf32>
    %get3A_8 = vector.shape_cast %get3A_7 : vector<1x1024x64xf32> to vector<1024x64xf32>
    %add3A = arith.addf %get3A_3, %get3A_8 : vector<1024x64xf32>
    %get3A_9 = arith.constant 0 : index
    %get3A_10 = arith.constant 0 : index
    %get3A_11 = vector.load %arg2[%get3A_9, %get3A_10] : memref<1024x64xf32, #tpu.memory_space<vmem>>, vector<1024x64xf32>
    %add3A_12 = arith.addf %add3A, %get3A_11 : vector<1024x64xf32>
    %get3A_13 = arith.constant 0 : index
    %get3A_14 = arith.constant 0 : index
    %get3A_15 = vector.load %arg3[%get3A_13, %get3A_14] : memref<1024x1xf32, #tpu.memory_space<vmem>>, vector<1024x1xf32>
    %mul3A = vector.broadcast %get3A_15 : vector<1024x1xf32> to vector<1024x64xf32>
    %mul3A_16 = arith.mulf %add3A_12, %mul3A : vector<1024x64xf32>
    %get3A_17 = arith.constant 0 : index
    %get3A_18 = arith.constant 0 : index
    %get3A_19 = vector.load %arg4[%get3A_17, %get3A_18] : memref<1x64xf32, #tpu.memory_space<vmem>>, vector<1x64xf32>
    %add3A_20 = vector.broadcast %get3A_19 : vector<1x64xf32> to vector<1024x64xf32>
    %add3A_21 = arith.addf %mul3A_16, %add3A_20 : vector<1024x64xf32>
    %max3A = arith.constant 0.000000e+00 : f32
    %max3A_22 = vector.broadcast %max3A : f32 to vector<1024x64xf32>
    %max3A_23 = arith.maximumf %add3A_21, %max3A_22 : vector<1024x64xf32>
    %get3A_24 = arith.constant 0 : index
    %get3A_25 = arith.constant 0 : index
    %get3A_26 = vector.load %arg5[%get3A_24, %get3A_25] : memref<64x64xf32, #tpu.memory_space<vmem>>, vector<64x64xf32>
    %dot_general3A = arith.constant dense<0.000000e+00> : vector<1024x64xf32>
    %dot_general3A_27 = tpu.matmul %max3A_23, %get3A_26, %dot_general3A {dimension_numbers = #tpu.dot_dimension_numbers<[1], [0], [0], [1], [0, 0, 1, 1], [], []>, transpose_lhs_hint = false} : vector<1024x64xf32>, vector<64x64xf32>, vector<1024x64xf32> -> vector<1024x64xf32>
    %get3A_28 = arith.constant 0 : index
    %get3A_29 = arith.constant 0 : index
    %get3A_30 = vector.load %arg3[%get3A_28, %get3A_29] : memref<1024x1xf32, #tpu.memory_space<vmem>>, vector<1024x1xf32>
    %mul3A_31 = vector.broadcast %get3A_30 : vector<1024x1xf32> to vector<1024x64xf32>
    %mul3A_32 = arith.mulf %dot_general3A_27, %mul3A_31 : vector<1024x64xf32>
    %swap3A = arith.constant 0 : index
    %swap3A_33 = arith.constant 0 : index
    %swap3A_34 = vector.load %arg6[%swap3A, %swap3A_33] : memref<1024x64xf32, #tpu.memory_space<vmem>>, vector<1024x64xf32>
    tpu.vector_store %arg6[%swap3A, %swap3A_33], %mul3A_32 {strides = array<i32>} : memref<1024x64xf32, #tpu.memory_space<vmem>>, vector<1024x64xf32>,
    return
  }
  func.func @transform_0(%arg0: i32) -> (i32, i32, i32) {
    %c0_i32 = arith.constant 0 : i32
    %c0_i32_0 = arith.constant 0 : i32
    %c0_i32_1 = arith.constant 0 : i32
    return %c0_i32, %arg0, %c0_i32_0 : i32, i32, i32
  }
  func.func @transform_1(%arg0: i32) -> (i32, i32) {
    %c0_i32 = arith.constant 0 : i32
    %c0_i32_0 = arith.constant 0 : i32
    return %arg0, %c0_i32 : i32, i32
  }
  func.func @transform_2(%arg0: i32) -> (i32, i32) {
    %c0_i32 = arith.constant 0 : i32
    %c0_i32_0 = arith.constant 0 : i32
    return %arg0, %c0_i32 : i32, i32
  }
  func.func @transform_3(%arg0: i32) -> (i32, i32) {
    %c0_i32 = arith.constant 0 : i32
    %c0_i32_0 = arith.constant 0 : i32
    %c0_i32_1 = arith.constant 0 : i32
    return %c0_i32, %c0_i32_0 : i32, i32
  }
  func.func @transform_4(%arg0: i32) -> (i32, i32) {
    %c0_i32 = arith.constant 0 : i32
    %c0_i32_0 = arith.constant 0 : i32
    %c0_i32_1 = arith.constant 0 : i32
    return %c0_i32, %c0_i32_0 : i32, i32
  }
  func.func @transform_5(%arg0: i32) -> (i32, i32) {
    %c0_i32 = arith.constant 0 : i32
    %c0_i32_0 = arith.constant 0 : i32
    return %arg0, %c0_i32 : i32, i32
  }
}

module attributes {stable_mosaic.version = 14 : i64} {
  func.func @_fin_body(%arg0: i32, %arg1: memref<2x1024x64xf32, #tpu.memory_space<vmem>>, %arg2: memref<1024x64xf32, #tpu.memory_space<vmem>>, %arg3: memref<1024x1xf32, #tpu.memory_space<vmem>>, %arg4: memref<1x64xf32, #tpu.memory_space<vmem>>, %arg5: memref<64x32xf32, #tpu.memory_space<vmem>>, %arg6: memref<1x32xf32, #tpu.memory_space<vmem>>, %arg7: memref<32x10xf32, #tpu.memory_space<vmem>>, %arg8: memref<1x10xf32, #tpu.memory_space<vmem>>, %arg9: memref<1024x64xf32, #tpu.memory_space<vmem>>, %arg10: memref<1024x10xf32, #tpu.memory_space<vmem>>) attributes {dimension_semantics = [#tpu.dimension_semantics<arbitrary>], iteration_bounds = array<i64: 10>, scalar_prefetch = 0 : i64, scratch_operands = 0 : i64, tpu.core_type = #tpu.core_type<tc>, window_params = [{transform_indices = @transform_0, window_bounds = array<i64: 2, 1024, 64>}, {transform_indices = @transform_1, window_bounds = array<i64: 1024, 64>}, {transform_indices = @transform_2, window_bounds = array<i64: 1024, 1>}, {pipeline_mode = #tpu.pipeline_mode<synchronous>, transform_indices = @transform_3, window_bounds = array<i64: 1, 64>}, {pipeline_mode = #tpu.pipeline_mode<synchronous>, transform_indices = @transform_4, window_bounds = array<i64: 64, 32>}, {pipeline_mode = #tpu.pipeline_mode<synchronous>, transform_indices = @transform_5, window_bounds = array<i64: 1, 32>}, {pipeline_mode = #tpu.pipeline_mode<synchronous>, transform_indices = @transform_6, window_bounds = array<i64: 32, 10>}, {pipeline_mode = #tpu.pipeline_mode<synchronous>, transform_indices = @transform_7, window_bounds = array<i64: 1, 10>}, {transform_indices = @transform_8, window_bounds = array<i64: 1024, 64>}, {transform_indices = @transform_9, window_bounds = array<i64: 1024, 10>}]} {
    %get3A = arith.constant 0 : index
    %get3A_0 = arith.constant 0 : index
    %get3A_1 = arith.constant 0 : index
    %get3A_2 = vector.load %arg1[%get3A, %get3A_0, %get3A_1] : memref<2x1024x64xf32, #tpu.memory_space<vmem>>, vector<1x1024x64xf32>
    %get3A_3 = vector.shape_cast %get3A_2 : vector<1x1024x64xf32> to vector<1024x64xf32>
    %get3A_4 = arith.constant 1 : index
    %get3A_5 = arith.constant 0 : index
    %get3A_6 = arith.constant 0 : index
    %get3A_7 = vector.load %arg1[%get3A_4, %get3A_5, %get3A_6] : memref<2x1024x64xf32, #tpu.memory_space<vmem>>, vector<1x1024x64xf32>
    %get3A_8 = vector.shape_cast %get3A_7 : vector<1x1024x64xf32> to vector<1024x64xf32>
    %add3A = arith.addf %get3A_3, %get3A_8 : vector<1024x64xf32>
    %get3A_9 = arith.constant 0 : index
    %get3A_10 = arith.constant 0 : index
    %get3A_11 = vector.load %arg2[%get3A_9, %get3A_10] : memref<1024x64xf32, #tpu.memory_space<vmem>>, vector<1024x64xf32>
    %add3A_12 = arith.addf %add3A, %get3A_11 : vector<1024x64xf32>
    %get3A_13 = arith.constant 0 : index
    %get3A_14 = arith.constant 0 : index
    %get3A_15 = vector.load %arg3[%get3A_13, %get3A_14] : memref<1024x1xf32, #tpu.memory_space<vmem>>, vector<1024x1xf32>
    %mul3A = vector.broadcast %get3A_15 : vector<1024x1xf32> to vector<1024x64xf32>
    %mul3A_16 = arith.mulf %add3A_12, %mul3A : vector<1024x64xf32>
    %get3A_17 = arith.constant 0 : index
    %get3A_18 = arith.constant 0 : index
    %get3A_19 = vector.load %arg4[%get3A_17, %get3A_18] : memref<1x64xf32, #tpu.memory_space<vmem>>, vector<1x64xf32>
    %add3A_20 = vector.broadcast %get3A_19 : vector<1x64xf32> to vector<1024x64xf32>
    %add3A_21 = arith.addf %mul3A_16, %add3A_20 : vector<1024x64xf32>
    %max3A = arith.constant 0.000000e+00 : f32
    %max3A_22 = vector.broadcast %max3A : f32 to vector<1024x64xf32>
    %max3A_23 = arith.maximumf %add3A_21, %max3A_22 : vector<1024x64xf32>
    %swap3A = arith.constant 0 : index
    %swap3A_24 = arith.constant 0 : index
    %swap3A_25 = vector.load %arg9[%swap3A, %swap3A_24] : memref<1024x64xf32, #tpu.memory_space<vmem>>, vector<1024x64xf32>
    tpu.vector_store %arg9[%swap3A, %swap3A_24], %max3A_23 {strides = array<i32>} : memref<1024x64xf32, #tpu.memory_space<vmem>>, vector<1024x64xf32>,
    %get3A_26 = arith.constant 0 : index
    %get3A_27 = arith.constant 0 : index
    %get3A_28 = vector.load %arg5[%get3A_26, %get3A_27] : memref<64x32xf32, #tpu.memory_space<vmem>>, vector<64x32xf32>
    %dot_general3A = arith.constant dense<0.000000e+00> : vector<1024x32xf32>
    %dot_general3A_29 = tpu.matmul %max3A_23, %get3A_28, %dot_general3A {dimension_numbers = #tpu.dot_dimension_numbers<[1], [0], [0], [1], [0, 0, 1, 1], [], []>, transpose_lhs_hint = false} : vector<1024x64xf32>, vector<64x32xf32>, vector<1024x32xf32> -> vector<1024x32xf32>
    %get3A_30 = arith.constant 0 : index
    %get3A_31 = arith.constant 0 : index
    %get3A_32 = vector.load %arg6[%get3A_30, %get3A_31] : memref<1x32xf32, #tpu.memory_space<vmem>>, vector<1x32xf32>
    %add3A_33 = vector.broadcast %get3A_32 : vector<1x32xf32> to vector<1024x32xf32>
    %add3A_34 = arith.addf %dot_general3A_29, %add3A_33 : vector<1024x32xf32>
    %max3A_35 = arith.constant 0.000000e+00 : f32
    %max3A_36 = vector.broadcast %max3A_35 : f32 to vector<1024x32xf32>
    %max3A_37 = arith.maximumf %add3A_34, %max3A_36 : vector<1024x32xf32>
    %get3A_38 = arith.constant 0 : index
    %get3A_39 = arith.constant 0 : index
    %get3A_40 = vector.load %arg7[%get3A_38, %get3A_39] : memref<32x10xf32, #tpu.memory_space<vmem>>, vector<32x10xf32>
    %dot_general3A_41 = arith.constant dense<0.000000e+00> : vector<1024x10xf32>
    %dot_general3A_42 = tpu.matmul %max3A_37, %get3A_40, %dot_general3A_41 {dimension_numbers = #tpu.dot_dimension_numbers<[1], [0], [0], [1], [0, 0, 1, 1], [], []>, transpose_lhs_hint = false} : vector<1024x32xf32>, vector<32x10xf32>, vector<1024x10xf32> -> vector<1024x10xf32>
    %get3A_43 = arith.constant 0 : index
    %get3A_44 = arith.constant 0 : index
    %get3A_45 = vector.load %arg8[%get3A_43, %get3A_44] : memref<1x10xf32, #tpu.memory_space<vmem>>, vector<1x10xf32>
    %add3A_46 = vector.broadcast %get3A_45 : vector<1x10xf32> to vector<1024x10xf32>
    %add3A_47 = arith.addf %dot_general3A_42, %add3A_46 : vector<1024x10xf32>
    %reduce_max3A = arith.constant dense<0xFF800000> : vector<1024xf32>
    %reduce_max3A_48 = vector.multi_reduction <maximumf>, %add3A_47, %reduce_max3A [1] : vector<1024x10xf32> to vector<1024xf32>
    %broadcast_in_dim3A = vector.shape_cast %reduce_max3A_48 : vector<1024xf32> to vector<1024x1xf32>
    %sub3A = vector.broadcast %broadcast_in_dim3A : vector<1024x1xf32> to vector<1024x10xf32>
    %sub3A_49 = arith.subf %add3A_47, %sub3A : vector<1024x10xf32>
    %exp3A = math.exp %sub3A_49 : vector<1024x10xf32>
    %reduce_sum3A = arith.constant dense<0.000000e+00> : vector<1024xf32>
    %reduce_sum3A_50 = vector.multi_reduction <add>, %exp3A, %reduce_sum3A [1] : vector<1024x10xf32> to vector<1024xf32>
    %broadcast_in_dim3A_51 = vector.shape_cast %reduce_sum3A_50 : vector<1024xf32> to vector<1024x1xf32>
    %div3A = vector.broadcast %broadcast_in_dim3A_51 : vector<1024x1xf32> to vector<1024x10xf32>
    %div3A_52 = arith.divf %exp3A, %div3A : vector<1024x10xf32>
    %swap3A_53 = arith.constant 0 : index
    %swap3A_54 = arith.constant 0 : index
    %swap3A_55 = vector.load %arg10[%swap3A_53, %swap3A_54] : memref<1024x10xf32, #tpu.memory_space<vmem>>, vector<1024x10xf32>
    tpu.vector_store %arg10[%swap3A_53, %swap3A_54], %div3A_52 {strides = array<i32>} : memref<1024x10xf32, #tpu.memory_space<vmem>>, vector<1024x10xf32>,
    return
  }
  func.func @transform_0(%arg0: i32) -> (i32, i32, i32) {
    %c0_i32 = arith.constant 0 : i32
    %c0_i32_0 = arith.constant 0 : i32
    %c0_i32_1 = arith.constant 0 : i32
    return %c0_i32, %arg0, %c0_i32_0 : i32, i32, i32
  }
  func.func @transform_1(%arg0: i32) -> (i32, i32) {
    %c0_i32 = arith.constant 0 : i32
    %c0_i32_0 = arith.constant 0 : i32
    return %arg0, %c0_i32 : i32, i32
  }
  func.func @transform_2(%arg0: i32) -> (i32, i32) {
    %c0_i32 = arith.constant 0 : i32
    %c0_i32_0 = arith.constant 0 : i32
    return %arg0, %c0_i32 : i32, i32
  }
  func.func @transform_3(%arg0: i32) -> (i32, i32) {
    %c0_i32 = arith.constant 0 : i32
    %c0_i32_0 = arith.constant 0 : i32
    %c0_i32_1 = arith.constant 0 : i32
    return %c0_i32, %c0_i32_0 : i32, i32
  }
  func.func @transform_4(%arg0: i32) -> (i32, i32) {
    %c0_i32 = arith.constant 0 : i32
    %c0_i32_0 = arith.constant 0 : i32
    %c0_i32_1 = arith.constant 0 : i32
    return %c0_i32, %c0_i32_0 : i32, i32
  }
  func.func @transform_5(%arg0: i32) -> (i32, i32) {
    %c0_i32 = arith.constant 0 : i32
    %c0_i32_0 = arith.constant 0 : i32
    %c0_i32_1 = arith.constant 0 : i32
    return %c0_i32, %c0_i32_0 : i32, i32
  }
  func.func @transform_6(%arg0: i32) -> (i32, i32) {
    %c0_i32 = arith.constant 0 : i32
    %c0_i32_0 = arith.constant 0 : i32
    %c0_i32_1 = arith.constant 0 : i32
    return %c0_i32, %c0_i32_0 : i32, i32
  }
  func.func @transform_7(%arg0: i32) -> (i32, i32) {
    %c0_i32 = arith.constant 0 : i32
    %c0_i32_0 = arith.constant 0 : i32
    %c0_i32_1 = arith.constant 0 : i32
    return %c0_i32, %c0_i32_0 : i32, i32
  }
  func.func @transform_8(%arg0: i32) -> (i32, i32) {
    %c0_i32 = arith.constant 0 : i32
    %c0_i32_0 = arith.constant 0 : i32
    return %arg0, %c0_i32 : i32, i32
  }
  func.func @transform_9(%arg0: i32) -> (i32, i32) {
    %c0_i32 = arith.constant 0 : i32
    %c0_i32_0 = arith.constant 0 : i32
    return %arg0, %c0_i32 : i32, i32
  }
}

</mosaic_0001>

<sc_bundles>
// kernel: kernel.11.cloned.1.call-start
scs
__scs_entry_jumppad:
0x0: {  	(pc) =	sbr.rel $0x88, $3  }
0x1: {  	(tag) =	ssettag $0x0;
	lr =	simm.s32 $0x1  }
0x2: {  	[smem:$0x3F97] =	sst lr;
	_ =	strace $0xD0000000  }
0x3: {  	_ = 	snop  }
0x4: {  	_ = 	snop  }
0x5: {  	_ = 	snop  }
0x6: {  	_ = 	snop  }
0x7: {  	_ = 	snop  }
__scs_overlays_trampoline_lowered:
0x8: {  	[smem:$0x3FA6] =	sst s0  }
0x9: {  	[smem:$0x3FA7] =	sst s1  }
0xa: {  	[smem:$0x3FA8] =	sst s2  }
0xb: {  	[smem:$0x3FA9] =	sst s3  }
0xc: {  	[smem:$0x3FAA] =	sst s4  }
0xd: {  	[smem:$0x3FAB] =	sst s5  }
0xe: {  	[smem:$0x3FAC] =	sst s6  }
0xf: {  	[smem:$0x3FAD] =	sst s7  }
0x10: {  	[smem:$0x3FAE] =	sst s8  }
0x11: {  	[smem:$0x3FAF] =	sst s9;
	s0 =	simm.s32 @!p0 $0x0  }
0x12: {  	s1 =	sld [smem:$0x3F95];
	s0 =	simm.s32 @p0 $0x1  }
0x13: {  	[smem:$0x3FB0] =	sst s0;
	s0 =	simm.s32 @!p1 $0x0  }
0x14: {  	s2 =	sld [smem:$0x3F94];
	s0 =	simm.s32 @p1 $0x1  }
0x15: {  	[smem:$0x3FB1] =	sst s0;
	s0 =	simm.s32 @!p2 $0x0  }
0x16: {  	s3 =	sld [smem:$0x3FDB];
	s0 =	simm.s32 @p2 $0x1  }
0x17: {  	s4 =	simm.s32 $0x1BF5;
	[smem:$0x3FB3] =	sst s0  }
0x18: {  	s0 =	sld [smem:$0x3F96];
	_ =	swait.ge [sflag:s4], $0x0  }
0x19: {  	s7 =	sld [smem:$0x3F97]  }
0x1a: {  	s8 =	sadd.s32 $0xFFFFE003, lr  }
0x1b: {  	s9 =	sadd.s32 $0xFFFFFEF7, lr;
	s5 =	simm.s32 $0xFFFFFFFF;
	p2 =	slt.u32 s8, $0xFFFFF086  }
0x1c: {  	p1 =	slt.u32 s9, $0xF7A;
	s5 =	simm.s32 @!p2 $0x0  }
0x1d: {  	s5 =	simm.s32 @p1 $0x1;
	p0 =	seq.s32 s7, s2  }
0x1e: {  	s7 =	smul.u32 @!p0 $0xF7A, s2;
	p2 =	seq.s32 @!p0 s5, $0x0  }
0x1f: {  	s9 =	smul.u32 $0xF7A, s1;
	s8 =	simm.s32 @!p0 $0x1BF5;
	p2 =	por !p2, p0  }
0x20: {  	[sflag:s8] =	ssyncset.s32 @!p0 $0xFFFFF086;
	s6 =	sadd.s32 @!p0 s3, s7;
	s7 =	simm.s32 @!p0 $0x108  }
0x21: {  	s3 =	sadd.s32 s3, s9;
	s6 =	sadd.s32 @!p0 $0x88, s6;
	s7 =	simm.s32 @p2 $0x1082  }
0x22: {  	[simem:s7], [sflag:s8] =	dma.local @!p0 [hbm:s6], $0xF7A  }
0x23: {  	s9 =	sor.u32 $0xD0000000, s2;
	s6 =	simm.s32 $0x108;
	_ =	swait.ge @!p0 [sflag:s8], $0x0  }
0x24: {  	s3 =	sadd.s32 $0x88, s3;
	s6 =	simm.s32 @!p1 $0x1082;
	[sflag:s4] =	ssyncset.s32 $0xFFFFF086  }
0x25: {  	[simem:s6], [sflag:s4] =	dma.local [hbm:s3], $0xF7A  }
0x26: {  	[smem:$0x3F97] =	sst s1;
	(tag) =	ssettag s2;
	_ =	strace s9  }
0x27: {  	s1 =	sld [smem:$0x3FA7]  }
0x28: {  	s2 =	sld [smem:$0x3FA8]  }
0x29: {  	s4 =	sld [smem:$0x3FAA]  }
0x2a: {  	p0 =	seq.s32 s5, $0x0;
	s5 =	sld [smem:$0x3FAB]  }
0x2b: {  	s6 =	sld [smem:$0x3FAC]  }
0x2c: {  	s7 =	sld [smem:$0x3FAD]  }
0x2d: {  	s3 =	simm.s32 $0x108;
	s8 =	sld [smem:$0x3FAE]  }
0x2e: {  	s3 =	simm.s32 @!p0 $0x1082;
	s9 =	sld [smem:$0x3FAF]  }
0x2f: {  	lr =	sadd.s32 s0, s3;
	s0 =	sld [smem:$0x3FA6]  }
0x30: {  	s3 =	sld [smem:$0x3FA9]  }
0x31: {  	[smem:$0x3FB2] =	sst s10  }
0x32: {  	s10 =	sld [smem:$0x3FB0];
	_ =	sdelay $0x3  }
0x33: {  	p0 =	seq.s32 s10, $0x1;
	s10 =	sld [smem:$0x3FB2];
	_ =	sdelay $0x3  }
0x34: {  	[smem:$0x3FB2] =	sst s10  }
0x35: {  	s10 =	sld [smem:$0x3FB1];
	_ =	sdelay $0x3  }
0x36: {  	p1 =	seq.s32 s10, $0x1;
	s10 =	sld [smem:$0x3FB2];
	_ =	sdelay $0x3  }
0x37: {  	[smem:$0x3FB2] =	sst s10  }
0x38: {  	s10 =	sld [smem:$0x3FB3]  }
0x39: {  	_ = 	snop;
	(pc) =	sbr.ind lr, $3  }
0x3a: {  	_ = 	snop  }
0x3b: {  	_ = 	snop  }
0x3c: {  	p2 =	seq.s32 s10, $0x1;
	s10 =	sld [smem:$0x3FB2]  }
0x3d: {  	_ =	shalt  }
0x3e: {  	_ =	shalt  }
0x3f: {  	_ =	shalt  }
0x40: {  	_ =	shalt  }
0x41: {  	_ =	shalt  }
0x42: {  	_ =	shalt  }
0x43: {  	_ =	shalt  }
0x44: {  	_ =	shalt  }
0x45: {  	_ =	shalt  }
0x46: {  	_ =	shalt  }
0x47: {  	_ =	shalt  }
0x48: {  	_ =	shalt  }
0x49: {  	_ =	shalt  }
0x4a: {  	_ =	shalt  }
0x4b: {  	_ =	shalt  }
0x4c: {  	_ =	shalt  }
0x4d: {  	_ =	shalt  }
0x4e: {  	_ =	shalt  }
0x4f: {  	_ =	shalt  }
0x50: {  	_ =	shalt  }
0x51: {  	_ =	shalt  }
0x52: {  	_ =	shalt  }
0x53: {  	_ =	shalt  }
0x54: {  	_ =	shalt  }
0x55: {  	_ =	shalt  }
0x56: {  	_ =	shalt  }
0x57: {  	_ =	shalt  }
0x58: {  	_ =	shalt  }
0x59: {  	_ =	shalt  }
0x5a: {  	_ =	shalt  }
0x5b: {  	_ =	shalt  }
0x5c: {  	_ =	shalt  }
0x5d: {  	_ =	shalt  }
0x5e: {  	_ =	shalt  }
0x5f: {  	_ =	shalt  }
0x60: {  	_ =	shalt  }
0x61: {  	_ =	shalt  }
0x62: {  	_ =	shalt  }
0x63: {  	_ =	shalt  }
0x64: {  	_ =	shalt  }
0x65: {  	_ =	shalt  }
0x66: {  	_ =	shalt  }
0x67: {  	_ =	shalt  }
0x68: {  	_ =	shalt  }
0x69: {  	_ =	shalt  }
0x6a: {  	_ =	shalt  }
0x6b: {  	_ =	shalt  }
0x6c: {  	_ =	shalt  }
0x6d: {  	_ =	shalt  }
0x6e: {  	_ =	shalt  }
0x6f: {  	_ =	shalt  }
0x70: {  	_ =	shalt  }
0x71: {  	_ =	shalt  }
0x72: {  	_ =	shalt  }
0x73: {  	_ =	shalt  }
0x74: {  	_ =	shalt  }
0x75: {  	_ =	shalt  }
0x76: {  	_ =	shalt  }
0x77: {  	_ =	shalt  }
0x78: {  	_ =	shalt  }
0x79: {  	_ =	shalt  }
0x7a: {  	_ =	shalt  }
0x7b: {  	_ =	shalt  }
0x7c: {  	_ =	shalt  }
0x7d: {  	_ =	shalt  }
0x7e: {  	_ =	shalt  }
0x7f: {  	_ =	shalt  }
0x80: {  	_ =	shalt  }
0x81: {  	_ =	shalt  }
0x82: {  	_ =	shalt  }
0x83: {  	_ =	shalt  }
0x84: {  	_ =	shalt  }
0x85: {  	_ =	shalt  }
0x86: {  	_ =	shalt  }
0x87: {  	_ =	shalt  }
.Lfunc_end0:
.L_simem_size_0:
called_computation.1_lowered:
.L_overlay_start_0:
0x88: {  	s2 =	sld [smem:$0x3FD9]  }
0x89: {  	s3 =	sld [smem:$0x3FFE];
	_ =	sdelay $0x1  }
0x8a: {  	s1 =	srdreg.scid  }
0x8b: {  	s0 =	sand.u32 $0x1, s1  }
0x8c: {  	s14 =	sshll.u32 s0, $0xA;
	s2 =	sadd.s32 s3, s2  }
0x8d: {  	s2 =	sadd.s32 s2, s14  }
0x8e: {  	[smem:$0x3FBE] =	sst s2  }
0x8f: {  	_ = 	snop  }
0x90: {  	s2 =	sld [smem:$0x3FD0];
	_ =	sdelay $0x2  }
0x91: {  	s15 =	simm.s32 $0xA;
	s4 =	simm.s32 $0x10  }
0x92: {  	[smem:s4], [sflag:s15] =	dma.local [hbm:s2], $0x1  }
0x93: {  	_ =	swait.eq [sflag:s15], $0x1  }
0x94: {  	[sflag:s15] =	ssyncset.done $0x0  }
0x95: {  	[sflag:s15] =	ssyncadd.s32 $0xFFFFFFFF  }
0x96: {  	s16 =	sld [smem:$0x10];
	(tm) =	ssettm $0x1  }
0x97: {  	s17 =	sld [smem:$0x3FFB];
	_ =	sdelay $0x3  }
0x98: {  	_ =	strace s17  }
0x99: {  	s3 =	sld [smem:$0x3FFC];
	_ =	sdelay $0x3  }
0x9a: {  	_ =	strace s3  }
0x9b: {  	s3 =	sld [smem:$0x3FFD];
	_ =	sdelay $0x3  }
0x9c: {  	_ =	strace s3  }
0x9d: {  	_ =	strace $0x8FFFFFFF  }
0x9e: {  	s18 =	sld [smem:$0x3FDB];
	_ =	sdelay $0x1  }
0x9f: {  	s19 =	simm.s32 $_scs_section_size  }
0xa0: {  	s5 =	simm.s32 $_size__tile_overlayer_lowered;
	s6 =	simm.s32 $_tile_overlayer_lowered  }
0xa1: {  	s22 =	simm.s32 $0x1BFF;
	s21 =	sshll.u32 s6, $0x1;
	s3 =	sadd.s32 s19, s18  }
0xa2: {  	s7 =	simm.s32 $0x0;
	s20 =	sshll.u32 s5, $0x1;
	s5 =	sadd.s32 s21, s3  }
0xa3: {  	[timem:s7], [sflag:s22] =	dma.local [hbm:s5], s20  }
0xa4: {  	_ =	swait.ge [sflag:s22], s20  }
0xa5: {  	s4 =	ssub.s32 $0x0, s20;
	[sflag:s22] =	ssyncset.done $0x0  }
0xa6: {  	[sflag:s22] =	ssyncadd.s32 s4;
	_ =	sdelay $0x1  }
0xa7: {  	s23 =	simm.s32 $0x1B8B  }
0xa8: {  	_ =	swait.ge [sflag:s23], $0x1  }
0xa9: {  	[sflag:s23] =	ssyncset.done $0x0  }
0xaa: {  	s25 =	simm.s32 $0x1B8E;
	s24 =	sld [smem:$0x3FFE];
	[sflag:s23] =	ssyncadd.s32 $0xFFFFFFFF  }
0xab: {  	s26 =	simm.s32 $execute0_lowered;
	[smem:$0x3FD2] =	sst s25  }
0xac: {  	s5 =	sshll.u32 s26, $0x1;
	_ =	strace $0x80000049;
	[dreg:$0x1] =	wrdreg $0xFFFFFFFF  }
0xad: {  	s28 =	simm.s32 $_size_execute0_lowered;
	s3 =	sadd.s32 s3, s5;
	[dreg:$0x0] =	wrdreg $0x0  }
0xae: {  	s5 =	sshll.u32 s28, $0x1;
	[dreg:$0x2] =	wrdreg s3  }
0xaf: {  	[dreg:$0x3] =	wrdreg s5  }
0xb0: {  	[dreg:$0x4] =	wrdreg $0xC0  }
0xb1: {  	_ =	task [dreg:s7], $0x5FFFF  }
0xb2: {  	[dreg:$0x1] =	wrdreg $0xFFFFFFFF  }
0xb3: {  	[dreg:$0x0] =	wrdreg $0x60  }
0xb4: {  	[dreg:$0x2] =	wrdreg s24  }
0xb5: {  	[dreg:$0x3] =	wrdreg s16  }
0xb6: {  	[dreg:$0x4] =	wrdreg $0xA4000  }
0xb7: {  	[dreg:$0x5] =	wrdreg $0x144000  }
0xb8: {  	[dreg:$0x6] =	wrdreg $0x9  }
0xb9: {  	_ =	task.clear_ibuf [dreg:s7], $0x7FFFF;
	_ =	strace $0x90000049  }
0xba: {  	s29 =	simm.s32 $0x9;
	_ =	strace $0x8000004B  }
0xbb: {  	_ =	swait.ge [sflag:s29], $0x1  }
0xbc: {  	[sflag:s29] =	ssyncadd.s32 $0xFFFFFFFF  }
0xbd: {  	_ =	strace $0x9000004B  }
0xbe: {  	_ =	sfence  }
0xbf: {  	s30 =	sld [smem:$0x0];
	_ =	sdelay $0x2  }
0xc0: {  	s31 =	sshll.u32 s1, $0xD;
	s1 =	sshrl.u32 s1, $0x2  }
0xc1: {  	s3 =	sand.u32 $0x4000, s31;
	s1 =	sadd.s32 s1, s30  }
0xc2: {  	s0 =	sor.u32 s3, s0;
	s1 =	sshll.u32 s1, $0x11  }
0xc3: {  	s0 =	sor.u32 s1, s0  }
0xc4: {  	s0 =	sadd.s32 $0x8F2B, s0  }
0xc5: {  	[sflag:s0] =	ssyncadd.remote.s32 $0x1  }
0xc6: {  	_ =	sfence.sel $0xFFFF  }
0xc7: {  	[dreg:$0x0] =	wrdreg $0xFFFFFFFF;
	(pc) =	sbr.abs _section_cstart, $3  }
0xc8: {  	[dreg:$0x1] =	wrdreg $0xFFFFFFFF  }
0xc9: {  	_ =	task.clear_ibuf [dreg:s7], $0x2FFFF;
	_ =	strace $0x9FFFFFFF  }
0xca: {  	(tm) =	ssettm $0x7FFFFFFF  }
0xcb: {  	_ =	shalt  }
tec
execute0_lowered:
.L_overlay_start_1:
0x0: {  	(tag) =	ssettag $0x1  }
0x1: {  	s1 =	rddreg [dreg:$0x0]  }
0x2: {  	s15 =	rddreg [dreg:$0x1]  }
0x3: {  	s0 =	stileid.u32;
	s3 =	srdreg.scid  }
0x4: {  	s2 =	rddreg [dreg:$0x2];
	s4 =	simm.s32 $0x0;
	s19 =	simm.s32 $0x5  }
0x5: {  	s22 =	simm.s32 $0x80;
	s23 =	simm.s32 $0x5000;
	s13 =	smul.u32 $0xA000, s0  }
0x6: {  	s24 =	simm.s32 $0x7000;
	s25 =	simm.s32 $0x1;
	s7 =	smul.u32 $0x2800, s0  }
0x7: {  	s28 =	simm.s32 $0x3;
	s5 =	sand.u32 $0x1, s3;
	s30 =	smul.u32 $0x28000, s0  }
0x8: {  	s29 =	simm.s32 $0x4;
	s3 =	rddreg [dreg:$0x3];
	s6 =	smul.u32 $0x28000, s5  }
0x9: {  	[smem:$0x7FF] =	sst s4;
	s9 =	smul.u32 $0xA0000, s5;
	s5 =	ssub.s32 $0x2, s5  }
0xa: {  	_ =	strace $0x8000004A;
	s8 =	sshrl.u32 s13, $0x3;
	s31 =	sshrl.u32 s5, $0x1  }
0xb: {  	s20 =	sadd.s32 s13, s3;
	s14 =	sadd.s32 s8, s1;
	s6 =	sadd.s32 s7, s6  }
0xc: {  	s26 =	sadd.s32 s13, s9;
	s7 =	sshrl.u32 s30, $0x2;
	s18 =	ssub.s32 s5, s31  }
0xd: {  	s5 =	sadd.s32 s13, s2;
	s20 =	sshrl.u32 s20, $0x3;
	s16 =	sshrl.u32 s6, $0x3  }
0xe: {  	s6 =	sshrl.u32 s26, $0x3;
	s12 =	sadd.s32 s7, s2;
	s13 =	sadd.s32 $0x16000, s14  }
0xf: {  	s26 =	simm.s32 $0x2;
	s17 =	sadd.s32 s16, s1;
	s1 =	sadd.s32 s6, s1  }
0x10: {  	s6 =	sadd.s32 $0x1400, s12;
	s7 =	sadd.s32 $0x2800, s12;
	s8 =	sadd.s32 $0x3C00, s12  }
0x11: {  	s9 =	sadd.s32 $0x5000, s12;
	s10 =	sadd.s32 $0x6400, s12;
	s11 =	sadd.s32 $0x7800, s12  }
0x12: {  	s12 =	sadd.s32 $0x8C00, s12;
	s15 =	sadd.s32 s15, s16;
	s14 =	sadd.s32 $0xC000, s17  }
0x13: {  	v0 =	vimm.f32 $0.0e+00;
	s16 =	sadd.s32 $0x2A000, s1;
	s17 =	smax.u32 s18, $0x1;
	s18 =	simm.s32 $0x9000  }
.LBB2_1:
0x14: {  	s31 =	simm.s32 $0x100;
	s30 =	simm.s32 $0x0  }
.LBB2_2:
0x15: {  	p0 =	sne.s32 s31, $0x4F00;
	[tilespmem:s30+$0x9030] =	vst v0;
	s1 =	smov.u32 s31;
	s31 =	sadd.s32 $0x100, s31  }
.Ltmp0:
0x16: {  	[tilespmem:s30+$0x9020] =	vst v0;
	(pc) =	sbr.rel @p0 .LBB2_2-.Ltmp0, $3  }
0x17: {  	[tilespmem:s30+$0x9000] =	vst v0  }
0x18: {  	[tilespmem:s30+$0x9010] =	vst v0;
	_ =	sdelay $0x1  }
0x19: {  	s30 =	sshra.s32 s1, $0x2  }
0x1a: {  	[tilespmem:s30+$0x9030] =	vst v0  }
0x1b: {  	[tilespmem:s30+$0x9020] =	vst v0  }
0x1c: {  	[tilespmem:s30+$0x9000] =	vst v0  }
0x1d: {  	[tilespmem:s30+$0x9010] =	vst v0  }
0x1e: {  	[spmem:s5] =	stream.linear.scatter [tilespmem:s18], [sflag:$0x5], $0x1400, $0x38;
	[tilespmem:$0x1E400] =	vst v63  }
0x1f: {  	_ =	swait.ge [sflag:s19], $0x1400  }
0x20: {  	[sflag:s19] =	ssyncset.done $0x0  }
0x21: {  	[sflag:s19] =	ssyncadd.s32 $0xFFFFEC00  }
0x22: {  	[spmem:s6] =	stream.linear.scatter [tilespmem:s18], [sflag:$0x5], $0x1400, $0x38;
	[tilespmem:$0x1E400] =	vst v63  }
0x23: {  	_ =	swait.ge [sflag:s19], $0x1400  }
0x24: {  	[sflag:s19] =	ssyncset.done $0x0  }
0x25: {  	[sflag:s19] =	ssyncadd.s32 $0xFFFFEC00  }
0x26: {  	[spmem:s7] =	stream.linear.scatter [tilespmem:s18], [sflag:$0x5], $0x1400, $0x38;
	[tilespmem:$0x1E400] =	vst v63  }
0x27: {  	_ =	swait.ge [sflag:s19], $0x1400  }
0x28: {  	[sflag:s19] =	ssyncset.done $0x0  }
0x29: {  	[sflag:s19] =	ssyncadd.s32 $0xFFFFEC00  }
0x2a: {  	[spmem:s8] =	stream.linear.scatter [tilespmem:s18], [sflag:$0x5], $0x1400, $0x38;
	[tilespmem:$0x1E400] =	vst v63  }
0x2b: {  	_ =	swait.ge [sflag:s19], $0x1400  }
0x2c: {  	[sflag:s19] =	ssyncset.done $0x0  }
0x2d: {  	[sflag:s19] =	ssyncadd.s32 $0xFFFFEC00  }
0x2e: {  	[spmem:s9] =	stream.linear.scatter [tilespmem:s18], [sflag:$0x5], $0x1400, $0x38;
	[tilespmem:$0x1E400] =	vst v63  }
0x2f: {  	_ =	swait.ge [sflag:s19], $0x1400  }
0x30: {  	[sflag:s19] =	ssyncset.done $0x0  }
0x31: {  	[sflag:s19] =	ssyncadd.s32 $0xFFFFEC00  }
0x32: {  	[spmem:s10] =	stream.linear.scatter [tilespmem:s18], [sflag:$0x5], $0x1400, $0x38;
	[tilespmem:$0x1E400] =	vst v63  }
0x33: {  	_ =	swait.ge [sflag:s19], $0x1400  }
0x34: {  	[sflag:s19] =	ssyncset.done $0x0  }
0x35: {  	[sflag:s19] =	ssyncadd.s32 $0xFFFFEC00  }
0x36: {  	[spmem:s11] =	stream.linear.scatter [tilespmem:s18], [sflag:$0x5], $0x1400, $0x38;
	[tilespmem:$0x1E400] =	vst v63  }
0x37: {  	_ =	swait.ge [sflag:s19], $0x1400  }
0x38: {  	[sflag:s19] =	ssyncset.done $0x0  }
0x39: {  	[sflag:s19] =	ssyncadd.s32 $0xFFFFEC00  }
0x3a: {  	[spmem:s12] =	stream.linear.scatter [tilespmem:s18], [sflag:$0x5], $0x1400, $0x38;
	[tilespmem:$0x1E400] =	vst v63  }
0x3b: {  	s0 =	stileid.u32;
	_ =	swait.ge [sflag:s19], $0x1400  }
0x3c: {  	s1 =	sshll.u32 s0, $0x6;
	[sflag:s19] =	ssyncset.done $0x0  }
0x3d: {  	s30 =	sor.u32 $0x1C05, s1;
	[sflag:s19] =	ssyncadd.s32 $0xFFFFEC00  }
0x3e: {  	[spmem:s20], [sflag:s30] =	dma.local [hbm:s13], $0x1400  }
0x3f: {  	_ =	swait.ge [sflag:s19], $0x1400  }
0x40: {  	[sflag:s19] =	ssyncset.done $0x0  }
0x41: {  	s0 =	simm.s32 $0x0;
	[sflag:s19] =	ssyncadd.s32 $0xFFFFEC00  }
0x42: {  	[tilespmem:s0], [sflag:$0x5] =	stream.linear.gather [hbm4b:s14+s0], $0x2800, $0x38;
	[tilespmem:$0x1E400] =	vst v63  }
0x43: {  	_ =	swait.ge [sflag:s19], $0x2800  }
0x44: {  	[sflag:s19] =	ssyncset.done $0x0  }
0x45: {  	s21 =	simm.s32 $0x2800;
	[sflag:s19] =	ssyncadd.s32 $0xFFFFD800  }
0x46: {  	[tilespmem:s21], [sflag:$0x5] =	stream.linear.gather [hbm4b:s15+s0], $0x2800, $0x38;
	[tilespmem:$0x1E400] =	vst v63  }
0x47: {  	_ =	swait.ge [sflag:s19], $0x2800  }
0x48: {  	[sflag:s19] =	ssyncset.done $0x0  }
0x49: {  	[sflag:s19] =	ssyncadd.s32 $0xFFFFD800  }
0x4a: {  	s0 =	simm.s32 $0x0;
	[bflag:$0x0] =	sbarrier.arrive $0xFFFF  }
0x4b: {  	[tilespmem:s23], [sflag:$0x1] =	stream.indirect.gather [spmem:s3], $0x40, s0, s22, $0xb8;
	[tilespmem:$0x1E400] =	vst v63  }
0x4c: {  	s21 =	simm.s32 $0x80  }
0x4d: {  	[tilespmem:s24], [sflag:$0x2] =	stream.indirect.gather [spmem:s3], $0x40, s21, s22, $0xb8;
	[tilespmem:$0x1E400] =	vst v63  }
0x4e: {  	_ =	swait.ge [sflag:s25], $0x2000  }
0x4f: {  	[sflag:s25] =	ssyncset.done $0x0  }
0x50: {  	s0 =	simm.s32 $0x2800;
	[sflag:s25] =	ssyncadd.s32 $0xFFFFE000  }
0x51: {  	[spmem:s2] =	stream.indirect.scatter.add.f32 [tilespmem:s23], [sflag:$0x3], $0x40, s0, s22, $0xb8;
	[tilespmem:$0x1E400] =	vst v63  }
0x52: {  	_ =	swait.ge [sflag:s26], $0x2000  }
0x53: {  	[sflag:s26] =	ssyncset.done $0x0  }
0x54: {  	s21 =	simm.s32 $0x2880;
	[sflag:s26] =	ssyncadd.s32 $0xFFFFE000  }
0x55: {  	[spmem:s2] =	stream.indirect.scatter.add.f32 [tilespmem:s24], [sflag:$0x4], $0x40, s21, s22, $0xb8;
	[tilespmem:$0x1E400] =	vst v63  }
0x56: {  	_ =	swait.ge [sflag:s28], $0x2000  }
0x57: {  	[sflag:s28] =	ssyncset.done $0x0  }
0x58: {  	[sflag:s28] =	ssyncadd.s32 $0xFFFFE000  }
0x59: {  	_ =	swait.ge [sflag:s29], $0x2000  }
0x5a: {  	s31 =	simm.s32 $0x400;
	s1 =	simm.s32 $0x800;
	[sflag:s29] =	ssyncset.done $0x0  }
.LBB2_4:
0x5b: {  	s0 =	sshra.s32 s31, $0x2  }
0x5c: {  	[sflag:s29] =	ssyncadd.s32 $0xFFFFE000;
	s31 =	smov.u32 s1;
	s21 =	sadd.s32 $0x400, s1  }
0x5d: {  	[tilespmem:s23], [sflag:$0x1] =	stream.indirect.gather [spmem:s3], $0x40, s0, s22, $0xb8;
	[tilespmem:$0x1E400] =	vst v63  }
0x5e: {  	p0 =	sne.s32 s1, $0x9C00;
	s1 =	sadd.s32 $0x80, s0  }
0x5f: {  	[tilespmem:s24], [sflag:$0x2] =	stream.indirect.gather [spmem:s3], $0x40, s1, s22, $0xb8;
	[tilespmem:$0x1E400] =	vst v63  }
0x60: {  	_ =	swait.ge [sflag:s25], $0x2000  }
0x61: {  	[sflag:s25] =	ssyncset.done $0x0  }
0x62: {  	s1 =	sadd.s32 $0x2800, s0;
	[sflag:s25] =	ssyncadd.s32 $0xFFFFE000  }
0x63: {  	[spmem:s2] =	stream.indirect.scatter.add.f32 [tilespmem:s23], [sflag:$0x3], $0x40, s1, s22, $0xb8;
	[tilespmem:$0x1E400] =	vst v63  }
0x64: {  	_ =	swait.ge [sflag:s26], $0x2000  }
0x65: {  	[sflag:s26] =	ssyncset.done $0x0  }
0x66: {  	s0 =	sadd.s32 $0x2880, s0;
	[sflag:s26] =	ssyncadd.s32 $0xFFFFE000  }
0x67: {  	[spmem:s2] =	stream.indirect.scatter.add.f32 [tilespmem:s24], [sflag:$0x4], $0x40, s0, s22, $0xb8;
	[tilespmem:$0x1E400] =	vst v63  }
.Ltmp1:
0x68: {  	_ =	swait.ge [sflag:s28], $0x2000;
	(pc) =	sbr.rel @p0 .LBB2_4-.Ltmp1, $4  }
0x69: {  	[sflag:s28] =	ssyncset.done $0x0  }
0x6a: {  	[sflag:s28] =	ssyncadd.s32 $0xFFFFE000  }
0x6b: {  	_ =	swait.ge [sflag:s29], $0x2000  }
0x6c: {  	s1 =	smov.u32 s21;
	[sflag:s29] =	ssyncset.done $0x0  }
0x6d: {  	s0 =	sshra.s32 s31, $0x2;
	[sflag:s29] =	ssyncadd.s32 $0xFFFFE000  }
0x6e: {  	[tilespmem:s23], [sflag:$0x1] =	stream.indirect.gather [spmem:s3], $0x40, s0, s22, $0xb8;
	[tilespmem:$0x1E400] =	vst v63  }
0x6f: {  	s1 =	sadd.s32 $0x80, s0  }
0x70: {  	[tilespmem:s24], [sflag:$0x2] =	stream.indirect.gather [spmem:s3], $0x40, s1, s22, $0xb8;
	[tilespmem:$0x1E400] =	vst v63  }
0x71: {  	_ =	swait.ge [sflag:s25], $0x2000  }
0x72: {  	[sflag:s25] =	ssyncset.done $0x0  }
0x73: {  	s21 =	sadd.s32 $0x2800, s0;
	[sflag:s25] =	ssyncadd.s32 $0xFFFFE000  }
0x74: {  	[spmem:s2] =	stream.indirect.scatter.add.f32 [tilespmem:s23], [sflag:$0x3], $0x40, s21, s22, $0xb8;
	[tilespmem:$0x1E400] =	vst v63  }
0x75: {  	_ =	swait.ge [sflag:s26], $0x2000  }
0x76: {  	[sflag:s26] =	ssyncset.done $0x0  }
0x77: {  	s0 =	sadd.s32 $0x2880, s0;
	[sflag:s26] =	ssyncadd.s32 $0xFFFFE000  }
0x78: {  	[spmem:s2] =	stream.indirect.scatter.add.f32 [tilespmem:s24], [sflag:$0x4], $0x40, s0, s22, $0xb8;
	[tilespmem:$0x1E400] =	vst v63  }
0x79: {  	_ =	swait.ge [sflag:s28], $0x2000  }
0x7a: {  	[sflag:s28] =	ssyncset.done $0x0  }
0x7b: {  	[sflag:s28] =	ssyncadd.s32 $0xFFFFE000  }
0x7c: {  	_ =	swait.ge [sflag:s29], $0x2000  }
0x7d: {  	s4 =	sadd.s32 $0x1, s4;
	[sflag:s29] =	ssyncset.done $0x0  }
0x7e: {  	p0 =	sne.s32 s4, s17;
	[sflag:s29] =	ssyncadd.s32 $0xFFFFE000  }
.Ltmp2:
0x7f: {  	s31 =	sshrl.u32 s5, $0x3;
	[bflag:$0x0] =	sbarrier.arrive $0xFFFF;
	(pc) =	sbr.rel @p0 .LBB2_1-.Ltmp2, $4  }
0x80: {  	[hbm:s16], [sflag:s30] =	dma.local [spmem:s31], $0x1400  }
0x81: {  	_ =	swait.ge [sflag:s19], $0x1400  }
0x82: {  	[sflag:s19] =	ssyncset.done $0x0  }
0x83: {  	[sflag:s19] =	ssyncadd.s32 $0xFFFFEC00  }
0x84: {  	_ =	sfence.sel $0x180000  }
0x85: {  	[bflag:$0x0] =	sbarrier.arrive $0xFFFF  }
0x86: {  	_ =	strace $0x9000004A  }
0x87: {  	s0 =	stileid.u32;
	[bflag:$0x2] =	sbarrier.arrive $0xFFFF  }
0x88: {  	p0 =	sne.s32 s0, $0x0;
	s0 =	rddreg [dreg:$0x4]  }
0x89: {  	s0 =	sadd.s32 @!p0 $0x100000, s0  }
0x8a: {  	[sflag:s0] =	ssyncadd.tile.s32 @!p0 $0x1;
	_ =	shalt  }
.Lfunc_end2:
_tile_overlayer_lowered:
.L_overlay_start_2:
0x8b: {  	(tag) =	ssettag $0x2  }
0x8c: {  	s0 =	rddreg [dreg:$0x0];
	s2 =	stileid.u32  }
0x8d: {  	s1 =	rddreg [dreg:$0x1];
	p0 =	sne.s32 s2, $0x0  }
0x8e: {  	s3 =	rddreg [dreg:$0x2];
	[bflag:$0x3] =	sbarrier.arrive $0xFFFF;
	s2 =	simm.s32 @!p0 $0x1C05  }
0x8f: {  	[timem:s3], [sflag:s2] =	dma.local @!p0 [hbm:s0], s1  }
0x90: {  	s0 =	simm.s32 @!p0 $0x5  }
0x91: {  	_ =	swait.ge @!p0 [sflag:s0], s1  }
0x92: {  	s1 =	ssub.s32 @!p0 $0x0, s1;
	[sflag:s0] =	ssyncset.done @!p0 $0x0  }
0x93: {  	[sflag:s0] =	ssyncadd.s32 @!p0 s1  }
0x94: {  	[bflag:$0x3] =	sbarrier.arrive $0xFFFF  }
0x95: {  	_ =	shalt  }

// kernel: kernel.14.cloned.1.call-start
scs
__scs_entry_jumppad:
0x0: {  	(pc) =	sbr.rel $0x88, $3  }
0x1: {  	(tag) =	ssettag $0x0;
	lr =	simm.s32 $0x1  }
0x2: {  	[smem:$0x3F97] =	sst lr;
	_ =	strace $0xD0000000  }
0x3: {  	_ = 	snop  }
0x4: {  	_ = 	snop  }
0x5: {  	_ = 	snop  }
0x6: {  	_ = 	snop  }
0x7: {  	_ = 	snop  }
__scs_overlays_trampoline_lowered:
0x8: {  	[smem:$0x3FA6] =	sst s0  }
0x9: {  	[smem:$0x3FA7] =	sst s1  }
0xa: {  	[smem:$0x3FA8] =	sst s2  }
0xb: {  	[smem:$0x3FA9] =	sst s3  }
0xc: {  	[smem:$0x3FAA] =	sst s4  }
0xd: {  	[smem:$0x3FAB] =	sst s5  }
0xe: {  	[smem:$0x3FAC] =	sst s6  }
0xf: {  	[smem:$0x3FAD] =	sst s7  }
0x10: {  	[smem:$0x3FAE] =	sst s8  }
0x11: {  	[smem:$0x3FAF] =	sst s9;
	s0 =	simm.s32 @!p0 $0x0  }
0x12: {  	s1 =	sld [smem:$0x3F95];
	s0 =	simm.s32 @p0 $0x1  }
0x13: {  	[smem:$0x3FB0] =	sst s0;
	s0 =	simm.s32 @!p1 $0x0  }
0x14: {  	s2 =	sld [smem:$0x3F94];
	s0 =	simm.s32 @p1 $0x1  }
0x15: {  	[smem:$0x3FB1] =	sst s0;
	s0 =	simm.s32 @!p2 $0x0  }
0x16: {  	s3 =	sld [smem:$0x3FDB];
	s0 =	simm.s32 @p2 $0x1  }
0x17: {  	s4 =	simm.s32 $0x1BF5;
	[smem:$0x3FB3] =	sst s0  }
0x18: {  	s0 =	sld [smem:$0x3F96];
	_ =	swait.ge [sflag:s4], $0x0  }
0x19: {  	s7 =	sld [smem:$0x3F97]  }
0x1a: {  	s8 =	sadd.s32 $0xFFFFE003, lr  }
0x1b: {  	s9 =	sadd.s32 $0xFFFFFEF7, lr;
	s5 =	simm.s32 $0xFFFFFFFF;
	p2 =	slt.u32 s8, $0xFFFFF086  }
0x1c: {  	p1 =	slt.u32 s9, $0xF7A;
	s5 =	simm.s32 @!p2 $0x0  }
0x1d: {  	s5 =	simm.s32 @p1 $0x1;
	p0 =	seq.s32 s7, s2  }
0x1e: {  	s7 =	smul.u32 @!p0 $0xF7A, s2;
	p2 =	seq.s32 @!p0 s5, $0x0  }
0x1f: {  	s9 =	smul.u32 $0xF7A, s1;
	s8 =	simm.s32 @!p0 $0x1BF5;
	p2 =	por !p2, p0  }
0x20: {  	[sflag:s8] =	ssyncset.s32 @!p0 $0xFFFFF086;
	s6 =	sadd.s32 @!p0 s3, s7;
	s7 =	simm.s32 @!p0 $0x108  }
0x21: {  	s3 =	sadd.s32 s3, s9;
	s6 =	sadd.s32 @!p0 $0x88, s6;
	s7 =	simm.s32 @p2 $0x1082  }
0x22: {  	[simem:s7], [sflag:s8] =	dma.local @!p0 [hbm:s6], $0xF7A  }
0x23: {  	s9 =	sor.u32 $0xD0000000, s2;
	s6 =	simm.s32 $0x108;
	_ =	swait.ge @!p0 [sflag:s8], $0x0  }
0x24: {  	s3 =	sadd.s32 $0x88, s3;
	s6 =	simm.s32 @!p1 $0x1082;
	[sflag:s4] =	ssyncset.s32 $0xFFFFF086  }
0x25: {  	[simem:s6], [sflag:s4] =	dma.local [hbm:s3], $0xF7A  }
0x26: {  	[smem:$0x3F97] =	sst s1;
	(tag) =	ssettag s2;
	_ =	strace s9  }
0x27: {  	s1 =	sld [smem:$0x3FA7]  }
0x28: {  	s2 =	sld [smem:$0x3FA8]  }
0x29: {  	s4 =	sld [smem:$0x3FAA]  }
0x2a: {  	p0 =	seq.s32 s5, $0x0;
	s5 =	sld [smem:$0x3FAB]  }
0x2b: {  	s6 =	sld [smem:$0x3FAC]  }
0x2c: {  	s7 =	sld [smem:$0x3FAD]  }
0x2d: {  	s3 =	simm.s32 $0x108;
	s8 =	sld [smem:$0x3FAE]  }
0x2e: {  	s3 =	simm.s32 @!p0 $0x1082;
	s9 =	sld [smem:$0x3FAF]  }
0x2f: {  	lr =	sadd.s32 s0, s3;
	s0 =	sld [smem:$0x3FA6]  }
0x30: {  	s3 =	sld [smem:$0x3FA9]  }
0x31: {  	[smem:$0x3FB2] =	sst s10  }
0x32: {  	s10 =	sld [smem:$0x3FB0];
	_ =	sdelay $0x3  }
0x33: {  	p0 =	seq.s32 s10, $0x1;
	s10 =	sld [smem:$0x3FB2];
	_ =	sdelay $0x3  }
0x34: {  	[smem:$0x3FB2] =	sst s10  }
0x35: {  	s10 =	sld [smem:$0x3FB1];
	_ =	sdelay $0x3  }
0x36: {  	p1 =	seq.s32 s10, $0x1;
	s10 =	sld [smem:$0x3FB2];
	_ =	sdelay $0x3  }
0x37: {  	[smem:$0x3FB2] =	sst s10  }
0x38: {  	s10 =	sld [smem:$0x3FB3]  }
0x39: {  	_ = 	snop;
	(pc) =	sbr.ind lr, $3  }
0x3a: {  	_ = 	snop  }
0x3b: {  	_ = 	snop  }
0x3c: {  	p2 =	seq.s32 s10, $0x1;
	s10 =	sld [smem:$0x3FB2]  }
0x3d: {  	_ =	shalt  }
0x3e: {  	_ =	shalt  }
0x3f: {  	_ =	shalt  }
0x40: {  	_ =	shalt  }
0x41: {  	_ =	shalt  }
0x42: {  	_ =	shalt  }
0x43: {  	_ =	shalt  }
0x44: {  	_ =	shalt  }
0x45: {  	_ =	shalt  }
0x46: {  	_ =	shalt  }
0x47: {  	_ =	shalt  }
0x48: {  	_ =	shalt  }
0x49: {  	_ =	shalt  }
0x4a: {  	_ =	shalt  }
0x4b: {  	_ =	shalt  }
0x4c: {  	_ =	shalt  }
0x4d: {  	_ =	shalt  }
0x4e: {  	_ =	shalt  }
0x4f: {  	_ =	shalt  }
0x50: {  	_ =	shalt  }
0x51: {  	_ =	shalt  }
0x52: {  	_ =	shalt  }
0x53: {  	_ =	shalt  }
0x54: {  	_ =	shalt  }
0x55: {  	_ =	shalt  }
0x56: {  	_ =	shalt  }
0x57: {  	_ =	shalt  }
0x58: {  	_ =	shalt  }
0x59: {  	_ =	shalt  }
0x5a: {  	_ =	shalt  }
0x5b: {  	_ =	shalt  }
0x5c: {  	_ =	shalt  }
0x5d: {  	_ =	shalt  }
0x5e: {  	_ =	shalt  }
0x5f: {  	_ =	shalt  }
0x60: {  	_ =	shalt  }
0x61: {  	_ =	shalt  }
0x62: {  	_ =	shalt  }
0x63: {  	_ =	shalt  }
0x64: {  	_ =	shalt  }
0x65: {  	_ =	shalt  }
0x66: {  	_ =	shalt  }
0x67: {  	_ =	shalt  }
0x68: {  	_ =	shalt  }
0x69: {  	_ =	shalt  }
0x6a: {  	_ =	shalt  }
0x6b: {  	_ =	shalt  }
0x6c: {  	_ =	shalt  }
0x6d: {  	_ =	shalt  }
0x6e: {  	_ =	shalt  }
0x6f: {  	_ =	shalt  }
0x70: {  	_ =	shalt  }
0x71: {  	_ =	shalt  }
0x72: {  	_ =	shalt  }
0x73: {  	_ =	shalt  }
0x74: {  	_ =	shalt  }
0x75: {  	_ =	shalt  }
0x76: {  	_ =	shalt  }
0x77: {  	_ =	shalt  }
0x78: {  	_ =	shalt  }
0x79: {  	_ =	shalt  }
0x7a: {  	_ =	shalt  }
0x7b: {  	_ =	shalt  }
0x7c: {  	_ =	shalt  }
0x7d: {  	_ =	shalt  }
0x7e: {  	_ =	shalt  }
0x7f: {  	_ =	shalt  }
0x80: {  	_ =	shalt  }
0x81: {  	_ =	shalt  }
0x82: {  	_ =	shalt  }
0x83: {  	_ =	shalt  }
0x84: {  	_ =	shalt  }
0x85: {  	_ =	shalt  }
0x86: {  	_ =	shalt  }
0x87: {  	_ =	shalt  }
.Lfunc_end0:
.L_simem_size_0:
called_computation.2_lowered:
.L_overlay_start_0:
0x88: {  	s2 =	sld [smem:$0x3FD9]  }
0x89: {  	s3 =	sld [smem:$0x3FFE];
	_ =	sdelay $0x1  }
0x8a: {  	s1 =	srdreg.scid  }
0x8b: {  	s0 =	sand.u32 $0x1, s1  }
0x8c: {  	s14 =	sshll.u32 s0, $0xA;
	s2 =	sadd.s32 s3, s2  }
0x8d: {  	s2 =	sadd.s32 s2, s14  }
0x8e: {  	[smem:$0x3FBE] =	sst s2  }
0x8f: {  	_ = 	snop  }
0x90: {  	s2 =	sld [smem:$0x3FD0];
	_ =	sdelay $0x2  }
0x91: {  	s15 =	simm.s32 $0xA;
	s4 =	simm.s32 $0x10  }
0x92: {  	[smem:s4], [sflag:s15] =	dma.local [hbm:s2], $0x1  }
0x93: {  	_ =	swait.eq [sflag:s15], $0x1  }
0x94: {  	[sflag:s15] =	ssyncset.done $0x0  }
0x95: {  	[sflag:s15] =	ssyncadd.s32 $0xFFFFFFFF  }
0x96: {  	s16 =	sld [smem:$0x10];
	(tm) =	ssettm $0x1  }
0x97: {  	s17 =	sld [smem:$0x3FFB];
	_ =	sdelay $0x3  }
0x98: {  	_ =	strace s17  }
0x99: {  	s3 =	sld [smem:$0x3FFC];
	_ =	sdelay $0x3  }
0x9a: {  	_ =	strace s3  }
0x9b: {  	s3 =	sld [smem:$0x3FFD];
	_ =	sdelay $0x3  }
0x9c: {  	_ =	strace s3  }
0x9d: {  	_ =	strace $0x8FFFFFFF  }
0x9e: {  	s18 =	sld [smem:$0x3FDB];
	_ =	sdelay $0x1  }
0x9f: {  	s19 =	simm.s32 $_scs_section_size  }
0xa0: {  	s5 =	simm.s32 $_size__tile_overlayer_lowered;
	s6 =	simm.s32 $_tile_overlayer_lowered  }
0xa1: {  	s22 =	simm.s32 $0x1BFF;
	s21 =	sshll.u32 s6, $0x1;
	s3 =	sadd.s32 s19, s18  }
0xa2: {  	s7 =	simm.s32 $0x0;
	s20 =	sshll.u32 s5, $0x1;
	s5 =	sadd.s32 s21, s3  }
0xa3: {  	[timem:s7], [sflag:s22] =	dma.local [hbm:s5], s20  }
0xa4: {  	_ =	swait.ge [sflag:s22], s20  }
0xa5: {  	s4 =	ssub.s32 $0x0, s20;
	[sflag:s22] =	ssyncset.done $0x0  }
0xa6: {  	[sflag:s22] =	ssyncadd.s32 s4;
	_ =	sdelay $0x1  }
0xa7: {  	s23 =	simm.s32 $0x1B8B  }
0xa8: {  	_ =	swait.ge [sflag:s23], $0x1  }
0xa9: {  	[sflag:s23] =	ssyncset.done $0x0  }
0xaa: {  	s25 =	simm.s32 $0x1B8E;
	s24 =	sld [smem:$0x3FFE];
	[sflag:s23] =	ssyncadd.s32 $0xFFFFFFFF  }
0xab: {  	s26 =	simm.s32 $execute0_lowered;
	[smem:$0x3FD2] =	sst s25  }
0xac: {  	s5 =	sshll.u32 s26, $0x1;
	_ =	strace $0x8000004C;
	[dreg:$0x1] =	wrdreg $0xFFFFFFFF  }
0xad: {  	s28 =	simm.s32 $_size_execute0_lowered;
	s3 =	sadd.s32 s3, s5;
	[dreg:$0x0] =	wrdreg $0x0  }
0xae: {  	s5 =	sshll.u32 s28, $0x1;
	[dreg:$0x2] =	wrdreg s3  }
0xaf: {  	[dreg:$0x3] =	wrdreg s5  }
0xb0: {  	[dreg:$0x4] =	wrdreg $0xC0  }
0xb1: {  	_ =	task [dreg:s7], $0x5FFFF  }
0xb2: {  	[dreg:$0x1] =	wrdreg $0xFFFFFFFF  }
0xb3: {  	[dreg:$0x0] =	wrdreg $0x60  }
0xb4: {  	[dreg:$0x2] =	wrdreg s24  }
0xb5: {  	[dreg:$0x3] =	wrdreg s16  }
0xb6: {  	[dreg:$0x4] =	wrdreg $0xA4000  }
0xb7: {  	[dreg:$0x5] =	wrdreg $0x144000  }
0xb8: {  	[dreg:$0x6] =	wrdreg $0x9  }
0xb9: {  	_ =	task.clear_ibuf [dreg:s7], $0x7FFFF;
	_ =	strace $0x9000004C  }
0xba: {  	s29 =	simm.s32 $0x9;
	_ =	strace $0x8000004E  }
0xbb: {  	_ =	swait.ge [sflag:s29], $0x1  }
0xbc: {  	[sflag:s29] =	ssyncadd.s32 $0xFFFFFFFF  }
0xbd: {  	_ =	strace $0x9000004E  }
0xbe: {  	_ =	sfence  }
0xbf: {  	s30 =	sld [smem:$0x0];
	_ =	sdelay $0x2  }
0xc0: {  	s31 =	sshll.u32 s1, $0xD;
	s1 =	sshrl.u32 s1, $0x2  }
0xc1: {  	s3 =	sand.u32 $0x4000, s31;
	s1 =	sadd.s32 s1, s30  }
0xc2: {  	s0 =	sor.u32 s3, s0;
	s1 =	sshll.u32 s1, $0x11  }
0xc3: {  	s0 =	sor.u32 s1, s0  }
0xc4: {  	s0 =	sadd.s32 $0x8F2B, s0  }
0xc5: {  	[sflag:s0] =	ssyncadd.remote.s32 $0x1  }
0xc6: {  	_ =	sfence.sel $0xFFFF  }
0xc7: {  	[dreg:$0x0] =	wrdreg $0xFFFFFFFF;
	(pc) =	sbr.abs _section_cstart, $3  }
0xc8: {  	[dreg:$0x1] =	wrdreg $0xFFFFFFFF  }
0xc9: {  	_ =	task.clear_ibuf [dreg:s7], $0x2FFFF;
	_ =	strace $0x9FFFFFFF  }
0xca: {  	(tm) =	ssettm $0x7FFFFFFF  }
0xcb: {  	_ =	shalt  }
tec
execute0_lowered:
.L_overlay_start_1:
0x0: {  	(tag) =	ssettag $0x1  }
0x1: {  	s1 =	rddreg [dreg:$0x0]  }
0x2: {  	s15 =	rddreg [dreg:$0x1]  }
0x3: {  	s0 =	stileid.u32;
	s3 =	srdreg.scid  }
0x4: {  	s2 =	rddreg [dreg:$0x2];
	s4 =	simm.s32 $0x0;
	s19 =	simm.s32 $0x5  }
0x5: {  	s22 =	simm.s32 $0x80;
	s23 =	simm.s32 $0x5000;
	s13 =	smul.u32 $0xA000, s0  }
0x6: {  	s24 =	simm.s32 $0x7000;
	s25 =	simm.s32 $0x1;
	s7 =	smul.u32 $0x2800, s0  }
0x7: {  	s28 =	simm.s32 $0x3;
	s5 =	sand.u32 $0x1, s3;
	s30 =	smul.u32 $0x28000, s0  }
0x8: {  	s29 =	simm.s32 $0x4;
	s3 =	rddreg [dreg:$0x3];
	s6 =	smul.u32 $0x28000, s5  }
0x9: {  	[smem:$0x7FF] =	sst s4;
	s9 =	smul.u32 $0xA0000, s5;
	s5 =	ssub.s32 $0x2, s5  }
0xa: {  	_ =	strace $0x8000004D;
	s8 =	sshrl.u32 s13, $0x3;
	s31 =	sshrl.u32 s5, $0x1  }
0xb: {  	s20 =	sadd.s32 s13, s3;
	s14 =	sadd.s32 s8, s1;
	s6 =	sadd.s32 s7, s6  }
0xc: {  	s26 =	sadd.s32 s13, s9;
	s7 =	sshrl.u32 s30, $0x2;
	s18 =	ssub.s32 s5, s31  }
0xd: {  	s5 =	sadd.s32 s13, s2;
	s20 =	sshrl.u32 s20, $0x3;
	s16 =	sshrl.u32 s6, $0x3  }
0xe: {  	s6 =	sshrl.u32 s26, $0x3;
	s12 =	sadd.s32 s7, s2;
	s13 =	sadd.s32 $0x16000, s14  }
0xf: {  	s26 =	simm.s32 $0x2;
	s17 =	sadd.s32 s16, s1;
	s1 =	sadd.s32 s6, s1  }
0x10: {  	s6 =	sadd.s32 $0x1400, s12;
	s7 =	sadd.s32 $0x2800, s12;
	s8 =	sadd.s32 $0x3C00, s12  }
0x11: {  	s9 =	sadd.s32 $0x5000, s12;
	s10 =	sadd.s32 $0x6400, s12;
	s11 =	sadd.s32 $0x7800, s12  }
0x12: {  	s12 =	sadd.s32 $0x8C00, s12;
	s15 =	sadd.s32 s15, s16;
	s14 =	sadd.s32 $0xC000, s17  }
0x13: {  	v0 =	vimm.f32 $0.0e+00;
	s16 =	sadd.s32 $0x2A000, s1;
	s17 =	smax.u32 s18, $0x1;
	s18 =	simm.s32 $0x9000  }
.LBB2_1:
0x14: {  	s31 =	simm.s32 $0x100;
	s30 =	simm.s32 $0x0  }
.LBB2_2:
0x15: {  	p0 =	sne.s32 s31, $0x4F00;
	[tilespmem:s30+$0x9030] =	vst v0;
	s1 =	smov.u32 s31;
	s31 =	sadd.s32 $0x100, s31  }
.Ltmp0:
0x16: {  	[tilespmem:s30+$0x9020] =	vst v0;
	(pc) =	sbr.rel @p0 .LBB2_2-.Ltmp0, $3  }
0x17: {  	[tilespmem:s30+$0x9000] =	vst v0  }
0x18: {  	[tilespmem:s30+$0x9010] =	vst v0;
	_ =	sdelay $0x1  }
0x19: {  	s30 =	sshra.s32 s1, $0x2  }
0x1a: {  	[tilespmem:s30+$0x9030] =	vst v0  }
0x1b: {  	[tilespmem:s30+$0x9020] =	vst v0  }
0x1c: {  	[tilespmem:s30+$0x9000] =	vst v0  }
0x1d: {  	[tilespmem:s30+$0x9010] =	vst v0  }
0x1e: {  	[spmem:s5] =	stream.linear.scatter [tilespmem:s18], [sflag:$0x5], $0x1400, $0x38;
	[tilespmem:$0x1E400] =	vst v63  }
0x1f: {  	_ =	swait.ge [sflag:s19], $0x1400  }
0x20: {  	[sflag:s19] =	ssyncset.done $0x0  }
0x21: {  	[sflag:s19] =	ssyncadd.s32 $0xFFFFEC00  }
0x22: {  	[spmem:s6] =	stream.linear.scatter [tilespmem:s18], [sflag:$0x5], $0x1400, $0x38;
	[tilespmem:$0x1E400] =	vst v63  }
0x23: {  	_ =	swait.ge [sflag:s19], $0x1400  }
0x24: {  	[sflag:s19] =	ssyncset.done $0x0  }
0x25: {  	[sflag:s19] =	ssyncadd.s32 $0xFFFFEC00  }
0x26: {  	[spmem:s7] =	stream.linear.scatter [tilespmem:s18], [sflag:$0x5], $0x1400, $0x38;
	[tilespmem:$0x1E400] =	vst v63  }
0x27: {  	_ =	swait.ge [sflag:s19], $0x1400  }
0x28: {  	[sflag:s19] =	ssyncset.done $0x0  }
0x29: {  	[sflag:s19] =	ssyncadd.s32 $0xFFFFEC00  }
0x2a: {  	[spmem:s8] =	stream.linear.scatter [tilespmem:s18], [sflag:$0x5], $0x1400, $0x38;
	[tilespmem:$0x1E400] =	vst v63  }
0x2b: {  	_ =	swait.ge [sflag:s19], $0x1400  }
0x2c: {  	[sflag:s19] =	ssyncset.done $0x0  }
0x2d: {  	[sflag:s19] =	ssyncadd.s32 $0xFFFFEC00  }
0x2e: {  	[spmem:s9] =	stream.linear.scatter [tilespmem:s18], [sflag:$0x5], $0x1400, $0x38;
	[tilespmem:$0x1E400] =	vst v63  }
0x2f: {  	_ =	swait.ge [sflag:s19], $0x1400  }
0x30: {  	[sflag:s19] =	ssyncset.done $0x0  }
0x31: {  	[sflag:s19] =	ssyncadd.s32 $0xFFFFEC00  }
0x32: {  	[spmem:s10] =	stream.linear.scatter [tilespmem:s18], [sflag:$0x5], $0x1400, $0x38;
	[tilespmem:$0x1E400] =	vst v63  }
0x33: {  	_ =	swait.ge [sflag:s19], $0x1400  }
0x34: {  	[sflag:s19] =	ssyncset.done $0x0  }
0x35: {  	[sflag:s19] =	ssyncadd.s32 $0xFFFFEC00  }
0x36: {  	[spmem:s11] =	stream.linear.scatter [tilespmem:s18], [sflag:$0x5], $0x1400, $0x38;
	[tilespmem:$0x1E400] =	vst v63  }
0x37: {  	_ =	swait.ge [sflag:s19], $0x1400  }
0x38: {  	[sflag:s19] =	ssyncset.done $0x0  }
0x39: {  	[sflag:s19] =	ssyncadd.s32 $0xFFFFEC00  }
0x3a: {  	[spmem:s12] =	stream.linear.scatter [tilespmem:s18], [sflag:$0x5], $0x1400, $0x38;
	[tilespmem:$0x1E400] =	vst v63  }
0x3b: {  	s0 =	stileid.u32;
	_ =	swait.ge [sflag:s19], $0x1400  }
0x3c: {  	s1 =	sshll.u32 s0, $0x6;
	[sflag:s19] =	ssyncset.done $0x0  }
0x3d: {  	s30 =	sor.u32 $0x1C05, s1;
	[sflag:s19] =	ssyncadd.s32 $0xFFFFEC00  }
0x3e: {  	[spmem:s20], [sflag:s30] =	dma.local [hbm:s13], $0x1400  }
0x3f: {  	_ =	swait.ge [sflag:s19], $0x1400  }
0x40: {  	[sflag:s19] =	ssyncset.done $0x0  }
0x41: {  	s0 =	simm.s32 $0x0;
	[sflag:s19] =	ssyncadd.s32 $0xFFFFEC00  }
0x42: {  	[tilespmem:s0], [sflag:$0x5] =	stream.linear.gather [hbm4b:s14+s0], $0x2800, $0x38;
	[tilespmem:$0x1E400] =	vst v63  }
0x43: {  	_ =	swait.ge [sflag:s19], $0x2800  }
0x44: {  	[sflag:s19] =	ssyncset.done $0x0  }
0x45: {  	s21 =	simm.s32 $0x2800;
	[sflag:s19] =	ssyncadd.s32 $0xFFFFD800  }
0x46: {  	[tilespmem:s21], [sflag:$0x5] =	stream.linear.gather [hbm4b:s15+s0], $0x2800, $0x38;
	[tilespmem:$0x1E400] =	vst v63  }
0x47: {  	_ =	swait.ge [sflag:s19], $0x2800  }
0x48: {  	[sflag:s19] =	ssyncset.done $0x0  }
0x49: {  	[sflag:s19] =	ssyncadd.s32 $0xFFFFD800  }
0x4a: {  	s0 =	simm.s32 $0x0;
	[bflag:$0x0] =	sbarrier.arrive $0xFFFF  }
0x4b: {  	[tilespmem:s23], [sflag:$0x1] =	stream.indirect.gather [spmem:s3], $0x40, s0, s22, $0xb8;
	[tilespmem:$0x1E400] =	vst v63  }
0x4c: {  	s21 =	simm.s32 $0x80  }
0x4d: {  	[tilespmem:s24], [sflag:$0x2] =	stream.indirect.gather [spmem:s3], $0x40, s21, s22, $0xb8;
	[tilespmem:$0x1E400] =	vst v63  }
0x4e: {  	_ =	swait.ge [sflag:s25], $0x2000  }
0x4f: {  	[sflag:s25] =	ssyncset.done $0x0  }
0x50: {  	s0 =	simm.s32 $0x2800;
	[sflag:s25] =	ssyncadd.s32 $0xFFFFE000  }
0x51: {  	[spmem:s2] =	stream.indirect.scatter.add.f32 [tilespmem:s23], [sflag:$0x3], $0x40, s0, s22, $0xb8;
	[tilespmem:$0x1E400] =	vst v63  }
0x52: {  	_ =	swait.ge [sflag:s26], $0x2000  }
0x53: {  	[sflag:s26] =	ssyncset.done $0x0  }
0x54: {  	s21 =	simm.s32 $0x2880;
	[sflag:s26] =	ssyncadd.s32 $0xFFFFE000  }
0x55: {  	[spmem:s2] =	stream.indirect.scatter.add.f32 [tilespmem:s24], [sflag:$0x4], $0x40, s21, s22, $0xb8;
	[tilespmem:$0x1E400] =	vst v63  }
0x56: {  	_ =	swait.ge [sflag:s28], $0x2000  }
0x57: {  	[sflag:s28] =	ssyncset.done $0x0  }
0x58: {  	[sflag:s28] =	ssyncadd.s32 $0xFFFFE000  }
0x59: {  	_ =	swait.ge [sflag:s29], $0x2000  }
0x5a: {  	s31 =	simm.s32 $0x400;
	s1 =	simm.s32 $0x800;
	[sflag:s29] =	ssyncset.done $0x0  }
.LBB2_4:
0x5b: {  	s0 =	sshra.s32 s31, $0x2  }
0x5c: {  	[sflag:s29] =	ssyncadd.s32 $0xFFFFE000;
	s31 =	smov.u32 s1;
	s21 =	sadd.s32 $0x400, s1  }
0x5d: {  	[tilespmem:s23], [sflag:$0x1] =	stream.indirect.gather [spmem:s3], $0x40, s0, s22, $0xb8;
	[tilespmem:$0x1E400] =	vst v63  }
0x5e: {  	p0 =	sne.s32 s1, $0x9C00;
	s1 =	sadd.s32 $0x80, s0  }
0x5f: {  	[tilespmem:s24], [sflag:$0x2] =	stream.indirect.gather [spmem:s3], $0x40, s1, s22, $0xb8;
	[tilespmem:$0x1E400] =	vst v63  }
0x60: {  	_ =	swait.ge [sflag:s25], $0x2000  }
0x61: {  	[sflag:s25] =	ssyncset.done $0x0  }
0x62: {  	s1 =	sadd.s32 $0x2800, s0;
	[sflag:s25] =	ssyncadd.s32 $0xFFFFE000  }
0x63: {  	[spmem:s2] =	stream.indirect.scatter.add.f32 [tilespmem:s23], [sflag:$0x3], $0x40, s1, s22, $0xb8;
	[tilespmem:$0x1E400] =	vst v63  }
0x64: {  	_ =	swait.ge [sflag:s26], $0x2000  }
0x65: {  	[sflag:s26] =	ssyncset.done $0x0  }
0x66: {  	s0 =	sadd.s32 $0x2880, s0;
	[sflag:s26] =	ssyncadd.s32 $0xFFFFE000  }
0x67: {  	[spmem:s2] =	stream.indirect.scatter.add.f32 [tilespmem:s24], [sflag:$0x4], $0x40, s0, s22, $0xb8;
	[tilespmem:$0x1E400] =	vst v63  }
.Ltmp1:
0x68: {  	_ =	swait.ge [sflag:s28], $0x2000;
	(pc) =	sbr.rel @p0 .LBB2_4-.Ltmp1, $4  }
0x69: {  	[sflag:s28] =	ssyncset.done $0x0  }
0x6a: {  	[sflag:s28] =	ssyncadd.s32 $0xFFFFE000  }
0x6b: {  	_ =	swait.ge [sflag:s29], $0x2000  }
0x6c: {  	s1 =	smov.u32 s21;
	[sflag:s29] =	ssyncset.done $0x0  }
0x6d: {  	s0 =	sshra.s32 s31, $0x2;
	[sflag:s29] =	ssyncadd.s32 $0xFFFFE000  }
0x6e: {  	[tilespmem:s23], [sflag:$0x1] =	stream.indirect.gather [spmem:s3], $0x40, s0, s22, $0xb8;
	[tilespmem:$0x1E400] =	vst v63  }
0x6f: {  	s1 =	sadd.s32 $0x80, s0  }
0x70: {  	[tilespmem:s24], [sflag:$0x2] =	stream.indirect.gather [spmem:s3], $0x40, s1, s22, $0xb8;
	[tilespmem:$0x1E400] =	vst v63  }
0x71: {  	_ =	swait.ge [sflag:s25], $0x2000  }
0x72: {  	[sflag:s25] =	ssyncset.done $0x0  }
0x73: {  	s21 =	sadd.s32 $0x2800, s0;
	[sflag:s25] =	ssyncadd.s32 $0xFFFFE000  }
0x74: {  	[spmem:s2] =	stream.indirect.scatter.add.f32 [tilespmem:s23], [sflag:$0x3], $0x40, s21, s22, $0xb8;
	[tilespmem:$0x1E400] =	vst v63  }
0x75: {  	_ =	swait.ge [sflag:s26], $0x2000  }
0x76: {  	[sflag:s26] =	ssyncset.done $0x0  }
0x77: {  	s0 =	sadd.s32 $0x2880, s0;
	[sflag:s26] =	ssyncadd.s32 $0xFFFFE000  }
0x78: {  	[spmem:s2] =	stream.indirect.scatter.add.f32 [tilespmem:s24], [sflag:$0x4], $0x40, s0, s22, $0xb8;
	[tilespmem:$0x1E400] =	vst v63  }
0x79: {  	_ =	swait.ge [sflag:s28], $0x2000  }
0x7a: {  	[sflag:s28] =	ssyncset.done $0x0  }
0x7b: {  	[sflag:s28] =	ssyncadd.s32 $0xFFFFE000  }
0x7c: {  	_ =	swait.ge [sflag:s29], $0x2000  }
0x7d: {  	s4 =	sadd.s32 $0x1, s4;
	[sflag:s29] =	ssyncset.done $0x0  }
0x7e: {  	p0 =	sne.s32 s4, s17;
	[sflag:s29] =	ssyncadd.s32 $0xFFFFE000  }
.Ltmp2:
0x7f: {  	s31 =	sshrl.u32 s5, $0x3;
	[bflag:$0x0] =	sbarrier.arrive $0xFFFF;
	(pc) =	sbr.rel @p0 .LBB2_1-.Ltmp2, $4  }
0x80: {  	[hbm:s16], [sflag:s30] =	dma.local [spmem:s31], $0x1400  }
0x81: {  	_ =	swait.ge [sflag:s19], $0x1400  }
0x82: {  	[sflag:s19] =	ssyncset.done $0x0  }
0x83: {  	[sflag:s19] =	ssyncadd.s32 $0xFFFFEC00  }
0x84: {  	_ =	sfence.sel $0x180000  }
0x85: {  	[bflag:$0x0] =	sbarrier.arrive $0xFFFF  }
0x86: {  	_ =	strace $0x9000004D  }
0x87: {  	s0 =	stileid.u32;
	[bflag:$0x2] =	sbarrier.arrive $0xFFFF  }
0x88: {  	p0 =	sne.s32 s0, $0x0;
	s0 =	rddreg [dreg:$0x4]  }
0x89: {  	s0 =	sadd.s32 @!p0 $0x100000, s0  }
0x8a: {  	[sflag:s0] =	ssyncadd.tile.s32 @!p0 $0x1;
	_ =	shalt  }
.Lfunc_end2:
_tile_overlayer_lowered:
.L_overlay_start_2:
0x8b: {  	(tag) =	ssettag $0x2  }
0x8c: {  	s0 =	rddreg [dreg:$0x0];
	s2 =	stileid.u32  }
0x8d: {  	s1 =	rddreg [dreg:$0x1];
	p0 =	sne.s32 s2, $0x0  }
0x8e: {  	s3 =	rddreg [dreg:$0x2];
	[bflag:$0x3] =	sbarrier.arrive $0xFFFF;
	s2 =	simm.s32 @!p0 $0x1C05  }
0x8f: {  	[timem:s3], [sflag:s2] =	dma.local @!p0 [hbm:s0], s1  }
0x90: {  	s0 =	simm.s32 @!p0 $0x5  }
0x91: {  	_ =	swait.ge @!p0 [sflag:s0], s1  }
0x92: {  	s1 =	ssub.s32 @!p0 $0x0, s1;
	[sflag:s0] =	ssyncset.done @!p0 $0x0  }
0x93: {  	[sflag:s0] =	ssyncadd.s32 @!p0 s1  }
0x94: {  	[bflag:$0x3] =	sbarrier.arrive $0xFFFF  }
0x95: {  	_ =	shalt  }

// kernel: kernel.8.cloned.1.call-start
scs
__scs_entry_jumppad:
0x0: {  	(pc) =	sbr.rel $0x88, $3  }
0x1: {  	(tag) =	ssettag $0x0;
	lr =	simm.s32 $0x1  }
0x2: {  	[smem:$0x3F97] =	sst lr;
	_ =	strace $0xD0000000  }
0x3: {  	_ = 	snop  }
0x4: {  	_ = 	snop  }
0x5: {  	_ = 	snop  }
0x6: {  	_ = 	snop  }
0x7: {  	_ = 	snop  }
__scs_overlays_trampoline_lowered:
0x8: {  	[smem:$0x3FA6] =	sst s0  }
0x9: {  	[smem:$0x3FA7] =	sst s1  }
0xa: {  	[smem:$0x3FA8] =	sst s2  }
0xb: {  	[smem:$0x3FA9] =	sst s3  }
0xc: {  	[smem:$0x3FAA] =	sst s4  }
0xd: {  	[smem:$0x3FAB] =	sst s5  }
0xe: {  	[smem:$0x3FAC] =	sst s6  }
0xf: {  	[smem:$0x3FAD] =	sst s7  }
0x10: {  	[smem:$0x3FAE] =	sst s8  }
0x11: {  	[smem:$0x3FAF] =	sst s9;
	s0 =	simm.s32 @!p0 $0x0  }
0x12: {  	s1 =	sld [smem:$0x3F95];
	s0 =	simm.s32 @p0 $0x1  }
0x13: {  	[smem:$0x3FB0] =	sst s0;
	s0 =	simm.s32 @!p1 $0x0  }
0x14: {  	s2 =	sld [smem:$0x3F94];
	s0 =	simm.s32 @p1 $0x1  }
0x15: {  	[smem:$0x3FB1] =	sst s0;
	s0 =	simm.s32 @!p2 $0x0  }
0x16: {  	s3 =	sld [smem:$0x3FDB];
	s0 =	simm.s32 @p2 $0x1  }
0x17: {  	s4 =	simm.s32 $0x1BF5;
	[smem:$0x3FB3] =	sst s0  }
0x18: {  	s0 =	sld [smem:$0x3F96];
	_ =	swait.ge [sflag:s4], $0x0  }
0x19: {  	s7 =	sld [smem:$0x3F97]  }
0x1a: {  	s8 =	sadd.s32 $0xFFFFE003, lr  }
0x1b: {  	s9 =	sadd.s32 $0xFFFFFEF7, lr;
	s5 =	simm.s32 $0xFFFFFFFF;
	p2 =	slt.u32 s8, $0xFFFFF086  }
0x1c: {  	p1 =	slt.u32 s9, $0xF7A;
	s5 =	simm.s32 @!p2 $0x0  }
0x1d: {  	s5 =	simm.s32 @p1 $0x1;
	p0 =	seq.s32 s7, s2  }
0x1e: {  	s7 =	smul.u32 @!p0 $0xF7A, s2;
	p2 =	seq.s32 @!p0 s5, $0x0  }
0x1f: {  	s9 =	smul.u32 $0xF7A, s1;
	s8 =	simm.s32 @!p0 $0x1BF5;
	p2 =	por !p2, p0  }
0x20: {  	[sflag:s8] =	ssyncset.s32 @!p0 $0xFFFFF086;
	s6 =	sadd.s32 @!p0 s3, s7;
	s7 =	simm.s32 @!p0 $0x108  }
0x21: {  	s3 =	sadd.s32 s3, s9;
	s6 =	sadd.s32 @!p0 $0x88, s6;
	s7 =	simm.s32 @p2 $0x1082  }
0x22: {  	[simem:s7], [sflag:s8] =	dma.local @!p0 [hbm:s6], $0xF7A  }
0x23: {  	s9 =	sor.u32 $0xD0000000, s2;
	s6 =	simm.s32 $0x108;
	_ =	swait.ge @!p0 [sflag:s8], $0x0  }
0x24: {  	s3 =	sadd.s32 $0x88, s3;
	s6 =	simm.s32 @!p1 $0x1082;
	[sflag:s4] =	ssyncset.s32 $0xFFFFF086  }
0x25: {  	[simem:s6], [sflag:s4] =	dma.local [hbm:s3], $0xF7A  }
0x26: {  	[smem:$0x3F97] =	sst s1;
	(tag) =	ssettag s2;
	_ =	strace s9  }
0x27: {  	s1 =	sld [smem:$0x3FA7]  }
0x28: {  	s2 =	sld [smem:$0x3FA8]  }
0x29: {  	s4 =	sld [smem:$0x3FAA]  }
0x2a: {  	p0 =	seq.s32 s5, $0x0;
	s5 =	sld [smem:$0x3FAB]  }
0x2b: {  	s6 =	sld [smem:$0x3FAC]  }
0x2c: {  	s7 =	sld [smem:$0x3FAD]  }
0x2d: {  	s3 =	simm.s32 $0x108;
	s8 =	sld [smem:$0x3FAE]  }
0x2e: {  	s3 =	simm.s32 @!p0 $0x1082;
	s9 =	sld [smem:$0x3FAF]  }
0x2f: {  	lr =	sadd.s32 s0, s3;
	s0 =	sld [smem:$0x3FA6]  }
0x30: {  	s3 =	sld [smem:$0x3FA9]  }
0x31: {  	[smem:$0x3FB2] =	sst s10  }
0x32: {  	s10 =	sld [smem:$0x3FB0];
	_ =	sdelay $0x3  }
0x33: {  	p0 =	seq.s32 s10, $0x1;
	s10 =	sld [smem:$0x3FB2];
	_ =	sdelay $0x3  }
0x34: {  	[smem:$0x3FB2] =	sst s10  }
0x35: {  	s10 =	sld [smem:$0x3FB1];
	_ =	sdelay $0x3  }
0x36: {  	p1 =	seq.s32 s10, $0x1;
	s10 =	sld [smem:$0x3FB2];
	_ =	sdelay $0x3  }
0x37: {  	[smem:$0x3FB2] =	sst s10  }
0x38: {  	s10 =	sld [smem:$0x3FB3]  }
0x39: {  	_ = 	snop;
	(pc) =	sbr.ind lr, $3  }
0x3a: {  	_ = 	snop  }
0x3b: {  	_ = 	snop  }
0x3c: {  	p2 =	seq.s32 s10, $0x1;
	s10 =	sld [smem:$0x3FB2]  }
0x3d: {  	_ =	shalt  }
0x3e: {  	_ =	shalt  }
0x3f: {  	_ =	shalt  }
0x40: {  	_ =	shalt  }
0x41: {  	_ =	shalt  }
0x42: {  	_ =	shalt  }
0x43: {  	_ =	shalt  }
0x44: {  	_ =	shalt  }
0x45: {  	_ =	shalt  }
0x46: {  	_ =	shalt  }
0x47: {  	_ =	shalt  }
0x48: {  	_ =	shalt  }
0x49: {  	_ =	shalt  }
0x4a: {  	_ =	shalt  }
0x4b: {  	_ =	shalt  }
0x4c: {  	_ =	shalt  }
0x4d: {  	_ =	shalt  }
0x4e: {  	_ =	shalt  }
0x4f: {  	_ =	shalt  }
0x50: {  	_ =	shalt  }
0x51: {  	_ =	shalt  }
0x52: {  	_ =	shalt  }
0x53: {  	_ =	shalt  }
0x54: {  	_ =	shalt  }
0x55: {  	_ =	shalt  }
0x56: {  	_ =	shalt  }
0x57: {  	_ =	shalt  }
0x58: {  	_ =	shalt  }
0x59: {  	_ =	shalt  }
0x5a: {  	_ =	shalt  }
0x5b: {  	_ =	shalt  }
0x5c: {  	_ =	shalt  }
0x5d: {  	_ =	shalt  }
0x5e: {  	_ =	shalt  }
0x5f: {  	_ =	shalt  }
0x60: {  	_ =	shalt  }
0x61: {  	_ =	shalt  }
0x62: {  	_ =	shalt  }
0x63: {  	_ =	shalt  }
0x64: {  	_ =	shalt  }
0x65: {  	_ =	shalt  }
0x66: {  	_ =	shalt  }
0x67: {  	_ =	shalt  }
0x68: {  	_ =	shalt  }
0x69: {  	_ =	shalt  }
0x6a: {  	_ =	shalt  }
0x6b: {  	_ =	shalt  }
0x6c: {  	_ =	shalt  }
0x6d: {  	_ =	shalt  }
0x6e: {  	_ =	shalt  }
0x6f: {  	_ =	shalt  }
0x70: {  	_ =	shalt  }
0x71: {  	_ =	shalt  }
0x72: {  	_ =	shalt  }
0x73: {  	_ =	shalt  }
0x74: {  	_ =	shalt  }
0x75: {  	_ =	shalt  }
0x76: {  	_ =	shalt  }
0x77: {  	_ =	shalt  }
0x78: {  	_ =	shalt  }
0x79: {  	_ =	shalt  }
0x7a: {  	_ =	shalt  }
0x7b: {  	_ =	shalt  }
0x7c: {  	_ =	shalt  }
0x7d: {  	_ =	shalt  }
0x7e: {  	_ =	shalt  }
0x7f: {  	_ =	shalt  }
0x80: {  	_ =	shalt  }
0x81: {  	_ =	shalt  }
0x82: {  	_ =	shalt  }
0x83: {  	_ =	shalt  }
0x84: {  	_ =	shalt  }
0x85: {  	_ =	shalt  }
0x86: {  	_ =	shalt  }
0x87: {  	_ =	shalt  }
.Lfunc_end0:
.L_simem_size_0:
called_computation_lowered:
.L_overlay_start_0:
0x88: {  	s2 =	sld [smem:$0x3FD9]  }
0x89: {  	s3 =	sld [smem:$0x3FFE];
	_ =	sdelay $0x1  }
0x8a: {  	s1 =	srdreg.scid  }
0x8b: {  	s0 =	sand.u32 $0x1, s1  }
0x8c: {  	s14 =	sshll.u32 s0, $0xA;
	s2 =	sadd.s32 s3, s2  }
0x8d: {  	s2 =	sadd.s32 s2, s14  }
0x8e: {  	[smem:$0x3FBE] =	sst s2  }
0x8f: {  	_ = 	snop  }
0x90: {  	s2 =	sld [smem:$0x3FD0];
	_ =	sdelay $0x2  }
0x91: {  	s15 =	simm.s32 $0xA;
	s4 =	simm.s32 $0x10  }
0x92: {  	[smem:s4], [sflag:s15] =	dma.local [hbm:s2], $0x1  }
0x93: {  	_ =	swait.eq [sflag:s15], $0x1  }
0x94: {  	[sflag:s15] =	ssyncset.done $0x0  }
0x95: {  	[sflag:s15] =	ssyncadd.s32 $0xFFFFFFFF  }
0x96: {  	s16 =	sld [smem:$0x10];
	(tm) =	ssettm $0x1  }
0x97: {  	s17 =	sld [smem:$0x3FFB];
	_ =	sdelay $0x3  }
0x98: {  	_ =	strace s17  }
0x99: {  	s3 =	sld [smem:$0x3FFC];
	_ =	sdelay $0x3  }
0x9a: {  	_ =	strace s3  }
0x9b: {  	s3 =	sld [smem:$0x3FFD];
	_ =	sdelay $0x3  }
0x9c: {  	_ =	strace s3  }
0x9d: {  	_ =	strace $0x8FFFFFFF  }
0x9e: {  	s18 =	sld [smem:$0x3FDB];
	_ =	sdelay $0x1  }
0x9f: {  	s19 =	simm.s32 $_scs_section_size  }
0xa0: {  	s5 =	simm.s32 $_size__tile_overlayer_lowered;
	s6 =	simm.s32 $_tile_overlayer_lowered  }
0xa1: {  	s22 =	simm.s32 $0x1BFF;
	s21 =	sshll.u32 s6, $0x1;
	s3 =	sadd.s32 s19, s18  }
0xa2: {  	s7 =	simm.s32 $0x0;
	s20 =	sshll.u32 s5, $0x1;
	s5 =	sadd.s32 s21, s3  }
0xa3: {  	[timem:s7], [sflag:s22] =	dma.local [hbm:s5], s20  }
0xa4: {  	_ =	swait.ge [sflag:s22], s20  }
0xa5: {  	s4 =	ssub.s32 $0x0, s20;
	[sflag:s22] =	ssyncset.done $0x0  }
0xa6: {  	[sflag:s22] =	ssyncadd.s32 s4;
	_ =	sdelay $0x1  }
0xa7: {  	s23 =	simm.s32 $0x1B8B  }
0xa8: {  	_ =	swait.ge [sflag:s23], $0x1  }
0xa9: {  	[sflag:s23] =	ssyncset.done $0x0  }
0xaa: {  	s25 =	simm.s32 $0x1B8E;
	s24 =	sld [smem:$0x3FFE];
	[sflag:s23] =	ssyncadd.s32 $0xFFFFFFFF  }
0xab: {  	s26 =	simm.s32 $execute0_lowered;
	[smem:$0x3FD2] =	sst s25  }
0xac: {  	s5 =	sshll.u32 s26, $0x1;
	_ =	strace $0x80000046;
	[dreg:$0x1] =	wrdreg $0xFFFFFFFF  }
0xad: {  	s28 =	simm.s32 $_size_execute0_lowered;
	s3 =	sadd.s32 s3, s5;
	[dreg:$0x0] =	wrdreg $0x0  }
0xae: {  	s5 =	sshll.u32 s28, $0x1;
	[dreg:$0x2] =	wrdreg s3  }
0xaf: {  	[dreg:$0x3] =	wrdreg s5  }
0xb0: {  	[dreg:$0x4] =	wrdreg $0xC0  }
0xb1: {  	_ =	task [dreg:s7], $0x5FFFF  }
0xb2: {  	[dreg:$0x1] =	wrdreg $0xFFFFFFFF  }
0xb3: {  	[dreg:$0x0] =	wrdreg $0x60  }
0xb4: {  	[dreg:$0x2] =	wrdreg s16  }
0xb5: {  	[dreg:$0x3] =	wrdreg s24  }
0xb6: {  	[dreg:$0x4] =	wrdreg $0x58000  }
0xb7: {  	[dreg:$0x5] =	wrdreg $0x9  }
0xb8: {  	_ =	task.clear_ibuf [dreg:s7], $0x6FFFF;
	_ =	strace $0x90000046  }
0xb9: {  	s29 =	simm.s32 $0x9;
	_ =	strace $0x80000048  }
0xba: {  	_ =	swait.ge [sflag:s29], $0x1  }
0xbb: {  	[sflag:s29] =	ssyncadd.s32 $0xFFFFFFFF  }
0xbc: {  	_ =	strace $0x90000048  }
0xbd: {  	_ =	sfence  }
0xbe: {  	s30 =	sld [smem:$0x0];
	_ =	sdelay $0x2  }
0xbf: {  	s31 =	sshll.u32 s1, $0xD;
	s1 =	sshrl.u32 s1, $0x2  }
0xc0: {  	s3 =	sand.u32 $0x4000, s31;
	s1 =	sadd.s32 s1, s30  }
0xc1: {  	s0 =	sor.u32 s3, s0;
	s1 =	sshll.u32 s1, $0x11  }
0xc2: {  	s0 =	sor.u32 s1, s0  }
0xc3: {  	s0 =	sadd.s32 $0x8F2B, s0  }
0xc4: {  	[sflag:s0] =	ssyncadd.remote.s32 $0x1  }
0xc5: {  	_ =	sfence.sel $0xFFFF  }
0xc6: {  	[dreg:$0x0] =	wrdreg $0xFFFFFFFF;
	(pc) =	sbr.abs _section_cstart, $3  }
0xc7: {  	[dreg:$0x1] =	wrdreg $0xFFFFFFFF  }
0xc8: {  	_ =	task.clear_ibuf [dreg:s7], $0x2FFFF;
	_ =	strace $0x9FFFFFFF  }
0xc9: {  	(tm) =	ssettm $0x7FFFFFFF  }
tec
execute0_lowered:
.L_overlay_start_1:
0x0: {  	(tag) =	ssettag $0x1  }
0x1: {  	s5 =	rddreg [dreg:$0x0]  }
0x2: {  	s1 =	srdreg.scid;
	s7 =	rddreg [dreg:$0x1]  }
0x3: {  	s0 =	stileid.u32;
	s2 =	rddreg [dreg:$0x2]  }
0x4: {  	s3 =	simm.s32 $0x0;
	s10 =	simm.s32 $0x80;
	s11 =	simm.s32 $0x2800  }
0x5: {  	s4 =	sand.u32 $0x1, s1;
	s6 =	smul.u32 $0x2800, s0;
	s1 =	rddreg [dreg:$0x3]  }
0x6: {  	[smem:$0x7FF] =	sst s3;
	s8 =	smul.u32 $0x28000, s4;
	s4 =	ssub.s32 $0x2, s4  }
0x7: {  	s12 =	sshll.u32 s0, $0x6;
	_ =	strace $0x80000047;
	s9 =	sshrl.u32 s4, $0x1  }
0x8: {  	s8 =	sadd.s32 s6, s8;
	s9 =	ssub.s32 s4, s9;
	s4 =	sadd.s32 s6, s2  }
0x9: {  	s12 =	sor.u32 $0x1C01, s12;
	s8 =	sshrl.u32 s8, $0x3;
	s13 =	sshrl.u32 s4, $0x3  }
0xa: {  	v0 =	vimm.f32 $0.0e+00;
	vm0 =	vcmask $0x300;
	s7 =	sadd.s32 s8, s7;
	s5 =	sadd.s32 s5, s8;
	s8 =	simm.s32 $0x3000  }
0xb: {  	v1 =	vsel vm0, $0x3F800000, v0;
	s6 =	sadd.s32 $0x2000, s7;
	s7 =	smax.u32 s9, $0x1;
	s9 =	simm.s32 $0x1  }
.LBB2_1:
0xc: {  	s14 =	simm.s32 $0x0  }
.LBB2_2:
0xd: {  	p0 =	sne.s32 s14, $0x1FC0  }
.Ltmp0:
0xe: {  	_ = 	snop;
	(pc) =	sbr.rel @p0 .LBB2_2-.Ltmp0, $3  }
0xf: {  	_ =	sdelay $0x1  }
0x10: {  	s15 =	sshra.s32 s14, $0x2  }
0x11: {  	s14 =	sadd.s32 $0x40, s14;
	[tilespmem:s15+$0x2800] =	vst v1  }
0x12: {  	s14 =	simm.s32 $0x40;
	s15 =	simm.s32 $0x0  }
.LBB2_4:
0x13: {  	p0 =	sne.s32 s14, $0x9FC0;
	[tilespmem:s15+$0x3000] =	vst v0;
	s15 =	smov.u32 s14;
	s14 =	sadd.s32 $0x40, s14  }
.Ltmp1:
0x14: {  	(pc) =	sbr.rel @p0 .LBB2_4-.Ltmp1, $2  }
0x15: {  	_ =	sdelay $0x2  }
0x16: {  	s15 =	sshra.s32 s15, $0x2  }
0x17: {  	[tilespmem:s15+$0x3000] =	vst v0  }
0x18: {  	[spmem:s4] =	stream.linear.scatter [tilespmem:s8], [sflag:$0x1], $0x2800, $0x38;
	[tilespmem:$0x8000] =	vst v63  }
0x19: {  	_ =	swait.ge [sflag:s9], $0x2800  }
0x1a: {  	[sflag:s9] =	ssyncset.done $0x0  }
0x1b: {  	s14 =	simm.s32 $0x0;
	[sflag:s9] =	ssyncadd.s32 $0xFFFFD800  }
0x1c: {  	[tilespmem:s14], [sflag:$0x1] =	stream.linear.gather [hbm4b:s5+s14], $0x2800, $0x38;
	[tilespmem:$0x8000] =	vst v63  }
0x1d: {  	_ =	swait.ge [sflag:s9], $0x2800  }
0x1e: {  	[sflag:s9] =	ssyncset.done $0x0  }
0x1f: {  	[sflag:s9] =	ssyncadd.s32 $0xFFFFD800  }
0x20: {  	s31 =	simm.s32 $0x0;
	[bflag:$0x0] =	sbarrier.arrive $0xFFFF  }
0x21: {  	[spmem:s2] =	stream.indirect.scatter.add.f32 [tilespmem:s11], [sflag:$0x1], $0x10, s31, s10, $0xb8;
	[tilespmem:$0x8000] =	vst v63  }
0x22: {  	_ =	swait.ge [sflag:s9], $0x800  }
0x23: {  	s14 =	simm.s32 $0x200;
	[sflag:s9] =	ssyncset.done $0x0  }
.LBB2_6:
0x24: {  	s15 =	sshra.s32 s14, $0x2;
	[sflag:s9] =	ssyncadd.s32 $0xFFFFF800;
	p0 =	sne.s32 s14, $0x9E00  }
0x25: {  	[spmem:s2] =	stream.indirect.scatter.add.f32 [tilespmem:s11], [sflag:$0x1], $0x10, s15, s10, $0xb8;
	[tilespmem:$0x8000] =	vst v63  }
.Ltmp2:
0x26: {  	_ = 	snop;
	(pc) =	sbr.rel @p0 .LBB2_6-.Ltmp2, $4  }
0x27: {  	_ = 	snop  }
0x28: {  	s14 =	sadd.s32 $0x200, s14  }
0x29: {  	_ =	swait.ge [sflag:s9], $0x800  }
0x2a: {  	[sflag:s9] =	ssyncset.done $0x0  }
0x2b: {  	s3 =	sadd.s32 $0x1, s3  }
0x2c: {  	[sflag:s9] =	ssyncadd.s32 $0xFFFFF800;
	p0 =	sne.s32 s3, s7  }
.Ltmp3:
0x2d: {  	[bflag:$0x0] =	sbarrier.arrive $0xFFFF;
	(pc) =	sbr.rel @p0 .LBB2_1-.Ltmp3, $4  }
0x2e: {  	[hbm:s6], [sflag:s12] =	dma.local [spmem:s13], $0x500  }
0x2f: {  	_ =	swait.ge [sflag:s9], $0x500  }
0x30: {  	[sflag:s9] =	ssyncset.done $0x0  }
0x31: {  	[sflag:s9] =	ssyncadd.s32 $0xFFFFFB00  }
0x32: {  	_ =	sfence.sel $0x180000  }
0x33: {  	[bflag:$0x0] =	sbarrier.arrive $0xFFFF  }
0x34: {  	p0 =	sne.s32 s0, $0x0;
	_ =	strace $0x90000047  }
0x35: {  	s0 =	sadd.s32 @!p0 $0x100000, s1;
	[bflag:$0x2] =	sbarrier.arrive $0xFFFF  }
0x36: {  	[sflag:s0] =	ssyncadd.tile.s32 @!p0 $0x1;
	_ =	shalt  }
.Lfunc_end2:
_tile_overlayer_lowered:
.L_overlay_start_2:
0x37: {  	(tag) =	ssettag $0x2  }
0x38: {  	s0 =	rddreg [dreg:$0x0];
	s2 =	stileid.u32  }
0x39: {  	s1 =	rddreg [dreg:$0x1];
	p0 =	sne.s32 s2, $0x0  }
0x3a: {  	s3 =	rddreg [dreg:$0x2];
	[bflag:$0x3] =	sbarrier.arrive $0xFFFF;
	s2 =	simm.s32 @!p0 $0x1C01  }
0x3b: {  	[timem:s3], [sflag:s2] =	dma.local @!p0 [hbm:s0], s1  }
0x3c: {  	s0 =	simm.s32 @!p0 $0x1  }
0x3d: {  	_ =	swait.ge @!p0 [sflag:s0], s1  }
0x3e: {  	s1 =	ssub.s32 @!p0 $0x0, s1;
	[sflag:s0] =	ssyncset.done @!p0 $0x0  }
0x3f: {  	[sflag:s0] =	ssyncadd.s32 @!p0 s1  }
0x40: {  	[bflag:$0x3] =	sbarrier.arrive $0xFFFF  }
0x41: {  	_ =	shalt  }

</sc_bundles>
